<compile_context>
chip_gen: v7x
topology: tpu7x:2x2x1
jax: 0.10.2.dev20260603
libtpu: 0.0.44.dev20260713+nightly
codegen_flags: <defaults>
</compile_context>

<pallas_src>
import functools

import jax
import jax.numpy as jnp
from jax import lax
from jax.experimental import pallas as pl
from jax.experimental.pallas import tpu as pltpu
from jax.experimental.pallas import tpu_sc as plsc

_L = 16
_UNROLL = 8


@functools.cache
def _build(batch, feat_dim, num_classes):
    info = plsc.get_sparse_core_info()
    nc, ns = info.num_cores, info.num_subcores
    nw = nc * ns
    rows_per_w = feat_dim // nw
    f_chunk = 4096
    n_fchunk = batch // f_chunk
    scale = 0.5 / batch

    mesh = plsc.VectorSubcoreMesh(core_axis_name="c", subcore_axis_name="s")

    @functools.partial(
        pl.kernel,
        out_type=jax.ShapeDtypeStruct((nw, _L), jnp.float32),
        mesh=mesh,
        compiler_params=pltpu.CompilerParams(
            use_tc_tiling_on_sc=True, needs_layout_passes=False),
        scratch_types=[
            pltpu.VMEM((num_classes,), jnp.float32),
            pltpu.VMEM((batch,), jnp.int32),
            pltpu.VMEM((f_chunk,), jnp.float32),
            pltpu.VMEM((f_chunk,), jnp.float32),
            pltpu.VMEM((_L,), jnp.float32),
            pltpu.SemaphoreType.DMA,
            pltpu.SemaphoreType.DMA,
            pltpu.SemaphoreType.DMA,
        ],
    )
    def k(featT_hbm, lab_hbm, centT_hbm, out_hbm, row_v, lab_v, feat_v0,
          feat_v1, acc_v, rsem, fsem0, fsem1):
        wid = lax.axis_index("s") * nc + lax.axis_index("c")

        rcopy = pltpu.async_copy(centT_hbm.at[wid * rows_per_w], row_v, rsem)
        pltpu.sync_copy(lab_hbm, lab_v)

        fbufs = (feat_v0, feat_v1)
        fsems = (fsem0, fsem1)

        acc = (jnp.zeros((_L,), jnp.float32),) * 4
        for r in range(rows_per_w):
            f = wid * rows_per_w + r
            fcopies = [None] * n_fchunk
            fcopies[0] = pltpu.async_copy(
                featT_hbm.at[f, pl.ds(0, f_chunk)], fbufs[0], fsems[0])
            rcopy.wait()
            for h in range(n_fchunk):
                if h + 1 < n_fchunk:
                    b = (h + 1) % 2
                    fcopies[h + 1] = pltpu.async_copy(
                        featT_hbm.at[f, pl.ds((h + 1) * f_chunk, f_chunk)],
                        fbufs[b], fsems[b])
                fcopies[h].wait()
                feat_v = fbufs[h % 2]

                def body(it, acc):
                    base = it * (_L * _UNROLL)
                    acc = list(acc)
                    for u in range(_UNROLL):
                        o = base + u * _L
                        idx = lab_v[pl.ds(h * f_chunk + o, _L)]
                        c = plsc.load_gather(row_v, [idx])
                        fv = feat_v[pl.ds(o, _L)]
                        d = fv - c
                        acc[u % 4] = acc[u % 4] + d * d
                    return tuple(acc)

                acc = lax.fori_loop(0, f_chunk // (_L * _UNROLL), body, acc)
            if r < rows_per_w - 1:
                rcopy = pltpu.async_copy(
                    centT_hbm.at[wid * rows_per_w + r + 1], row_v, rsem)

        acc_v[...] = (acc[0] + acc[1] + (acc[2] + acc[3])) * scale
        pltpu.sync_copy(acc_v, out_hbm.at[wid])

    return k


def kernel(features, labels, centers):
    batch, feat_dim = features.shape
    num_classes = centers.shape[0]
    k = _build(batch, feat_dim, num_classes)
    partials = k(features.T, labels.astype(jnp.int32), centers.T)
    return jnp.sum(partials)

# --- scband reference (transcript-rebuilt; emitter-appended) ---
"""Pipeline reference for scband-center-loss-67499706024535 (READ-ONLY COPY).

The authoritative reference and input builder live on the scoring server;
editing this copy changes nothing except your own understanding.
"""

import jax, jax.numpy as jnp
import numpy as np

NUM_CLASSES = 100000
FEAT_DIM = 64
BATCH = 16384


def setup_inputs(seed: int = 0) -> dict:
    key = jax.random.key(seed)
    k1, k2, k3 = jax.random.split(key, 3)
    features = jax.random.normal(k1, (BATCH, FEAT_DIM), dtype=jnp.float32)
    labels = jax.random.randint(k2, (BATCH,), 0, NUM_CLASSES, dtype=jnp.int64 if jax.config.jax_enable_x64 else jnp.int32)
    centers = jax.random.normal(k3, (NUM_CLASSES, FEAT_DIM), dtype=jnp.float32)
    return {"features": features, "labels": labels, "centers": centers}


def reference(features, labels, centers):
    # centers_batch = self.centers.index_select(0, labels)
    centers_batch = jnp.take(centers, labels, axis=0)
    # loss = sum((features - centers_batch)**2) / 2.0 / features.size(0)
    diff = features - centers_batch
    loss = jnp.sum(diff * diff) / 2.0 / features.shape[0]
    return loss

if __name__ == "__main__":
    import jax
    _d = setup_inputs()
    print(jax.jit(kernel)(*tuple(_d.values())))

</pallas_src>

<mosaic_0001>
#map = affine_map<(d0, d1) -> (0, 0)>
#map1 = affine_map<(d0, d1) -> (0)>
module attributes {stable_mosaic.version = 14 : i64} {
  func.func @k(%arg0: i32, %arg1: i32, %arg2: memref<64x16384xf32, #tpu.memory_space<hbm>>, %arg3: memref<16384xi32, #tpu.memory_space<hbm>>, %arg4: memref<64x100000xf32, #tpu.memory_space<hbm>>, %arg5: memref<32x16xf32, #tpu.memory_space<hbm>>, %arg6: memref<100000xf32, #tpu.memory_space<vmem>>, %arg7: memref<16384xi32, #tpu.memory_space<vmem>>, %arg8: memref<4096xf32, #tpu.memory_space<vmem>>, %arg9: memref<4096xf32, #tpu.memory_space<vmem>>, %arg10: memref<16xf32, #tpu.memory_space<vmem>>, %arg11: memref<!tpu.dma_semaphore, #tpu.memory_space<semaphore_mem>>, %arg12: memref<!tpu.dma_semaphore, #tpu.memory_space<semaphore_mem>>, %arg13: memref<!tpu.dma_semaphore, #tpu.memory_space<semaphore_mem>>) attributes {dimension_semantics = [#tpu.dimension_semantics<core_parallel>, #tpu.dimension_semantics<subcore_parallel>], iteration_bounds = array<i64: 2, 16>, scalar_prefetch = 0 : i64, scratch_operands = 8 : i64, tpu.core_type = #tpu.core_type<sc_vector_subcore>, window_params = [{transform_indices = #map}, {transform_indices = #map1}, {transform_indices = #map}, {transform_indices = #map}]} {
    %mul3A = arith.constant 2 : i32
    %mul3A_0 = arith.muli %arg1, %mul3A : i32
    %add3A = arith.addi %mul3A_0, %arg0 : i32
    %mul3A_1 = arith.constant 2 : i32
    %mul3A_2 = arith.muli %add3A, %mul3A_1 : i32
    %dma_start3A = arith.constant 0 : i32
    %dma_start3A_3 = tpu.memref_slice %arg4[%mul3A_2, %dma_start3A] : memref<64x100000xf32, #tpu.memory_space<hbm>> -> memref<1x100000xf32, #tpu.memory_space<hbm>>
    %dma_start3A_4 = tpu.memref_squeeze %dma_start3A_3 : memref<1x100000xf32, #tpu.memory_space<hbm>> -> memref<100000xf32, #tpu.memory_space<hbm>>
    %dma_start3A_5 = arith.constant 0 : i32
    %dma_start3A_6 = tpu.memref_slice %arg4[%mul3A_2, %dma_start3A_5] : memref<64x100000xf32, #tpu.memory_space<hbm>> -> memref<1x100000xf32, #tpu.memory_space<hbm>>
    %dma_start3A_7 = tpu.memref_squeeze %dma_start3A_6 : memref<1x100000xf32, #tpu.memory_space<hbm>> -> memref<100000xf32, #tpu.memory_space<hbm>>
    tpu.enqueue_dma source(%dma_start3A_7 : memref<100000xf32, #tpu.memory_space<hbm>>) target(%arg6 : memref<100000xf32, #tpu.memory_space<vmem>>) target_semaphore(%arg11 : memref<!tpu.dma_semaphore, #tpu.memory_space<semaphore_mem>>)
    "tpu.region"() ({
      %run_scoped3A = tpu.sem_alloc : memref<!tpu.dma_semaphore, #tpu.memory_space<semaphore_mem>>
      tpu.enqueue_dma source(%arg3 : memref<16384xi32, #tpu.memory_space<hbm>>) target(%arg7 : memref<16384xi32, #tpu.memory_space<vmem>>) target_semaphore(%run_scoped3A : memref<!tpu.dma_semaphore, #tpu.memory_space<semaphore_mem>>)
      tpu.wait_dma2 semaphore(%run_scoped3A : memref<!tpu.dma_semaphore, #tpu.memory_space<semaphore_mem>>) src(%arg3 : memref<16384xi32, #tpu.memory_space<hbm>>) dst(%arg7 : memref<16384xi32, #tpu.memory_space<vmem>>)
      tpu.yield
    }) : () -> ()
    %broadcast_in_dim3A = arith.constant 0.000000e+00 : f32
    %broadcast_in_dim3A_8 = vector.broadcast %broadcast_in_dim3A : f32 to vector<16xf32>
    %mul3A_9 = arith.constant 2 : i32
    %mul3A_10 = arith.muli %add3A, %mul3A_9 : i32
    %add3A_11 = arith.constant 0 : i32
    %add3A_12 = arith.addi %mul3A_10, %add3A_11 : i32
    %dma_start3A_13 = arith.constant 0 : i32
    %dma_start3A_14 = tpu.memref_slice %arg2[%add3A_12, %dma_start3A_13] : memref<64x16384xf32, #tpu.memory_space<hbm>> -> memref<1x4096xf32, #tpu.memory_space<hbm>>
    %dma_start3A_15 = tpu.memref_squeeze %dma_start3A_14 : memref<1x4096xf32, #tpu.memory_space<hbm>> -> memref<4096xf32, #tpu.memory_space<hbm>>
    %dma_start3A_16 = arith.constant 0 : i32
    %dma_start3A_17 = tpu.memref_slice %arg2[%add3A_12, %dma_start3A_16] : memref<64x16384xf32, #tpu.memory_space<hbm>> -> memref<1x4096xf32, #tpu.memory_space<hbm>>
    %dma_start3A_18 = tpu.memref_squeeze %dma_start3A_17 : memref<1x4096xf32, #tpu.memory_space<hbm>> -> memref<4096xf32, #tpu.memory_space<hbm>>
    tpu.enqueue_dma source(%dma_start3A_18 : memref<4096xf32, #tpu.memory_space<hbm>>) target(%arg8 : memref<4096xf32, #tpu.memory_space<vmem>>) target_semaphore(%arg12 : memref<!tpu.dma_semaphore, #tpu.memory_space<semaphore_mem>>)
    %dma_wait3A = arith.constant 0 : i32
    %dma_wait3A_19 = tpu.memref_slice %arg4[%mul3A_2, %dma_wait3A] : memref<64x100000xf32, #tpu.memory_space<hbm>> -> memref<1x100000xf32, #tpu.memory_space<hbm>>
    %dma_wait3A_20 = tpu.memref_squeeze %dma_wait3A_19 : memref<1x100000xf32, #tpu.memory_space<hbm>> -> memref<100000xf32, #tpu.memory_space<hbm>>
    %dma_wait3A_21 = arith.constant 0 : i32
    %dma_wait3A_22 = tpu.memref_slice %arg4[%mul3A_2, %dma_wait3A_21] : memref<64x100000xf32, #tpu.memory_space<hbm>> -> memref<1x100000xf32, #tpu.memory_space<hbm>>
    %dma_wait3A_23 = tpu.memref_squeeze %dma_wait3A_22 : memref<1x100000xf32, #tpu.memory_space<hbm>> -> memref<100000xf32, #tpu.memory_space<hbm>>
    tpu.wait_dma2 semaphore(%arg11 : memref<!tpu.dma_semaphore, #tpu.memory_space<semaphore_mem>>) src(%dma_wait3A_23 : memref<100000xf32, #tpu.memory_space<hbm>>) dst(%arg6 : memref<100000xf32, #tpu.memory_space<vmem>>)
    %dma_start3A_24 = arith.constant 4096 : i32
    %dma_start3A_25 = tpu.memref_slice %arg2[%add3A_12, %dma_start3A_24] : memref<64x16384xf32, #tpu.memory_space<hbm>> -> memref<1x4096xf32, #tpu.memory_space<hbm>>
    %dma_start3A_26 = tpu.memref_squeeze %dma_start3A_25 : memref<1x4096xf32, #tpu.memory_space<hbm>> -> memref<4096xf32, #tpu.memory_space<hbm>>
    %dma_start3A_27 = arith.constant 4096 : i32
    %dma_start3A_28 = tpu.memref_slice %arg2[%add3A_12, %dma_start3A_27] : memref<64x16384xf32, #tpu.memory_space<hbm>> -> memref<1x4096xf32, #tpu.memory_space<hbm>>
    %dma_start3A_29 = tpu.memref_squeeze %dma_start3A_28 : memref<1x4096xf32, #tpu.memory_space<hbm>> -> memref<4096xf32, #tpu.memory_space<hbm>>
    tpu.enqueue_dma source(%dma_start3A_29 : memref<4096xf32, #tpu.memory_space<hbm>>) target(%arg9 : memref<4096xf32, #tpu.memory_space<vmem>>) target_semaphore(%arg13 : memref<!tpu.dma_semaphore, #tpu.memory_space<semaphore_mem>>)
    %dma_wait3A_30 = arith.constant 0 : i32
    %dma_wait3A_31 = tpu.memref_slice %arg2[%add3A_12, %dma_wait3A_30] : memref<64x16384xf32, #tpu.memory_space<hbm>> -> memref<1x4096xf32, #tpu.memory_space<hbm>>
    %dma_wait3A_32 = tpu.memref_squeeze %dma_wait3A_31 : memref<1x4096xf32, #tpu.memory_space<hbm>> -> memref<4096xf32, #tpu.memory_space<hbm>>
    %dma_wait3A_33 = arith.constant 0 : i32
    %dma_wait3A_34 = tpu.memref_slice %arg2[%add3A_12, %dma_wait3A_33] : memref<64x16384xf32, #tpu.memory_space<hbm>> -> memref<1x4096xf32, #tpu.memory_space<hbm>>
    %dma_wait3A_35 = tpu.memref_squeeze %dma_wait3A_34 : memref<1x4096xf32, #tpu.memory_space<hbm>> -> memref<4096xf32, #tpu.memory_space<hbm>>
    tpu.wait_dma2 semaphore(%arg12 : memref<!tpu.dma_semaphore, #tpu.memory_space<semaphore_mem>>) src(%dma_wait3A_35 : memref<4096xf32, #tpu.memory_space<hbm>>) dst(%arg8 : memref<4096xf32, #tpu.memory_space<vmem>>)
    %scan3A = arith.constant 0 : i32
    %scan3A_36 = arith.constant 32 : i32
    %scan3A_37 = arith.addi %scan3A, %scan3A_36 : i32
    %scan3A_38 = arith.constant 1 : i32
    %scan3A_39:4 = scf.for %scan3A_190 = %scan3A to %scan3A_37 step %scan3A_38 iter_args(%scan3A_191 = %broadcast_in_dim3A_8, %scan3A_192 = %broadcast_in_dim3A_8, %scan3A_193 = %broadcast_in_dim3A_8, %scan3A_194 = %broadcast_in_dim3A_8) -> (vector<16xf32>, vector<16xf32>, vector<16xf32>, vector<16xf32>)  : i32 {
      %mul3A_195 = arith.constant 128 : i32
      %mul3A_196 = arith.muli %scan3A_190, %mul3A_195 : i32
      %add3A_197 = arith.constant 0 : i32
      %add3A_198 = arith.addi %mul3A_196, %add3A_197 : i32
      %add3A_199 = arith.constant 0 : i32
      %add3A_200 = arith.addi %add3A_199, %add3A_198 : i32
      %get3A = arith.index_cast %add3A_200 : i32 to index
      %get3A_201 = tpu.vector_load %arg7[%get3A] {strides = array<i32>} : memref<16384xi32, #tpu.memory_space<vmem>>, vector<16xi32>,
      %gather3A = tpu.vector_load_idx %arg6[%get3A_201] : memref<100000xf32, #tpu.memory_space<vmem>>[vector<16xi32>], vector<16xf32>,
      %get3A_202 = arith.index_cast %add3A_198 : i32 to index
      %get3A_203 = tpu.vector_load %arg8[%get3A_202] {strides = array<i32>} : memref<4096xf32, #tpu.memory_space<vmem>>, vector<16xf32>,
      %sub3A = arith.subf %get3A_203, %gather3A : vector<16xf32>
      %mul3A_204 = arith.mulf %sub3A, %sub3A : vector<16xf32>
      %add3A_205 = arith.addf %scan3A_191, %mul3A_204 : vector<16xf32>
      %add3A_206 = arith.constant 16 : i32
      %add3A_207 = arith.addi %mul3A_196, %add3A_206 : i32
      %add3A_208 = arith.constant 0 : i32
      %add3A_209 = arith.addi %add3A_208, %add3A_207 : i32
      %get3A_210 = arith.index_cast %add3A_209 : i32 to index
      %get3A_211 = tpu.vector_load %arg7[%get3A_210] {strides = array<i32>} : memref<16384xi32, #tpu.memory_space<vmem>>, vector<16xi32>,
      %gather3A_212 = tpu.vector_load_idx %arg6[%get3A_211] : memref<100000xf32, #tpu.memory_space<vmem>>[vector<16xi32>], vector<16xf32>,
      %get3A_213 = arith.index_cast %add3A_207 : i32 to index
      %get3A_214 = tpu.vector_load %arg8[%get3A_213] {strides = array<i32>} : memref<4096xf32, #tpu.memory_space<vmem>>, vector<16xf32>,
      %sub3A_215 = arith.subf %get3A_214, %gather3A_212 : vector<16xf32>
      %mul3A_216 = arith.mulf %sub3A_215, %sub3A_215 : vector<16xf32>
      %add3A_217 = arith.addf %scan3A_192, %mul3A_216 : vector<16xf32>
      %add3A_218 = arith.constant 32 : i32
      %add3A_219 = arith.addi %mul3A_196, %add3A_218 : i32
      %add3A_220 = arith.constant 0 : i32
      %add3A_221 = arith.addi %add3A_220, %add3A_219 : i32
      %get3A_222 = arith.index_cast %add3A_221 : i32 to index
      %get3A_223 = tpu.vector_load %arg7[%get3A_222] {strides = array<i32>} : memref<16384xi32, #tpu.memory_space<vmem>>, vector<16xi32>,
      %gather3A_224 = tpu.vector_load_idx %arg6[%get3A_223] : memref<100000xf32, #tpu.memory_space<vmem>>[vector<16xi32>], vector<16xf32>,
      %get3A_225 = arith.index_cast %add3A_219 : i32 to index
      %get3A_226 = tpu.vector_load %arg8[%get3A_225] {strides = array<i32>} : memref<4096xf32, #tpu.memory_space<vmem>>, vector<16xf32>,
      %sub3A_227 = arith.subf %get3A_226, %gather3A_224 : vector<16xf32>
      %mul3A_228 = arith.mulf %sub3A_227, %sub3A_227 : vector<16xf32>
      %add3A_229 = arith.addf %scan3A_193, %mul3A_228 : vector<16xf32>
      %add3A_230 = arith.constant 48 : i32
      %add3A_231 = arith.addi %mul3A_196, %add3A_230 : i32
      %add3A_232 = arith.constant 0 : i32
      %add3A_233 = arith.addi %add3A_232, %add3A_231 : i32
      %get3A_234 = arith.index_cast %add3A_233 : i32 to index
      %get3A_235 = tpu.vector_load %arg7[%get3A_234] {strides = array<i32>} : memref<16384xi32, #tpu.memory_space<vmem>>, vector<16xi32>,
      %gather3A_236 = tpu.vector_load_idx %arg6[%get3A_235] : memref<100000xf32, #tpu.memory_space<vmem>>[vector<16xi32>], vector<16xf32>,
      %get3A_237 = arith.index_cast %add3A_231 : i32 to index
      %get3A_238 = tpu.vector_load %arg8[%get3A_237] {strides = array<i32>} : memref<4096xf32, #tpu.memory_space<vmem>>, vector<16xf32>,
      %sub3A_239 = arith.subf %get3A_238, %gather3A_236 : vector<16xf32>
      %mul3A_240 = arith.mulf %sub3A_239, %sub3A_239 : vector<16xf32>
      %add3A_241 = arith.addf %scan3A_194, %mul3A_240 : vector<16xf32>
      %add3A_242 = arith.constant 64 : i32
      %add3A_243 = arith.addi %mul3A_196, %add3A_242 : i32
      %add3A_244 = arith.constant 0 : i32
      %add3A_245 = arith.addi %add3A_244, %add3A_243 : i32
      %get3A_246 = arith.index_cast %add3A_245 : i32 to index
      %get3A_247 = tpu.vector_load %arg7[%get3A_246] {strides = array<i32>} : memref<16384xi32, #tpu.memory_space<vmem>>, vector<16xi32>,
      %gather3A_248 = tpu.vector_load_idx %arg6[%get3A_247] : memref<100000xf32, #tpu.memory_space<vmem>>[vector<16xi32>], vector<16xf32>,
      %get3A_249 = arith.index_cast %add3A_243 : i32 to index
      %get3A_250 = tpu.vector_load %arg8[%get3A_249] {strides = array<i32>} : memref<4096xf32, #tpu.memory_space<vmem>>, vector<16xf32>,
      %sub3A_251 = arith.subf %get3A_250, %gather3A_248 : vector<16xf32>
      %mul3A_252 = arith.mulf %sub3A_251, %sub3A_251 : vector<16xf32>
      %add3A_253 = arith.addf %add3A_205, %mul3A_252 : vector<16xf32>
      %add3A_254 = arith.constant 80 : i32
      %add3A_255 = arith.addi %mul3A_196, %add3A_254 : i32
      %add3A_256 = arith.constant 0 : i32
      %add3A_257 = arith.addi %add3A_256, %add3A_255 : i32
      %get3A_258 = arith.index_cast %add3A_257 : i32 to index
      %get3A_259 = tpu.vector_load %arg7[%get3A_258] {strides = array<i32>} : memref<16384xi32, #tpu.memory_space<vmem>>, vector<16xi32>,
      %gather3A_260 = tpu.vector_load_idx %arg6[%get3A_259] : memref<100000xf32, #tpu.memory_space<vmem>>[vector<16xi32>], vector<16xf32>,
      %get3A_261 = arith.index_cast %add3A_255 : i32 to index
      %get3A_262 = tpu.vector_load %arg8[%get3A_261] {strides = array<i32>} : memref<4096xf32, #tpu.memory_space<vmem>>, vector<16xf32>,
      %sub3A_263 = arith.subf %get3A_262, %gather3A_260 : vector<16xf32>
      %mul3A_264 = arith.mulf %sub3A_263, %sub3A_263 : vector<16xf32>
      %add3A_265 = arith.addf %add3A_217, %mul3A_264 : vector<16xf32>
      %add3A_266 = arith.constant 96 : i32
      %add3A_267 = arith.addi %mul3A_196, %add3A_266 : i32
      %add3A_268 = arith.constant 0 : i32
      %add3A_269 = arith.addi %add3A_268, %add3A_267 : i32
      %get3A_270 = arith.index_cast %add3A_269 : i32 to index
      %get3A_271 = tpu.vector_load %arg7[%get3A_270] {strides = array<i32>} : memref<16384xi32, #tpu.memory_space<vmem>>, vector<16xi32>,
      %gather3A_272 = tpu.vector_load_idx %arg6[%get3A_271] : memref<100000xf32, #tpu.memory_space<vmem>>[vector<16xi32>], vector<16xf32>,
      %get3A_273 = arith.index_cast %add3A_267 : i32 to index
      %get3A_274 = tpu.vector_load %arg8[%get3A_273] {strides = array<i32>} : memref<4096xf32, #tpu.memory_space<vmem>>, vector<16xf32>,
      %sub3A_275 = arith.subf %get3A_274, %gather3A_272 : vector<16xf32>
      %mul3A_276 = arith.mulf %sub3A_275, %sub3A_275 : vector<16xf32>
      %add3A_277 = arith.addf %add3A_229, %mul3A_276 : vector<16xf32>
      %add3A_278 = arith.constant 112 : i32
      %add3A_279 = arith.addi %mul3A_196, %add3A_278 : i32
      %add3A_280 = arith.constant 0 : i32
      %add3A_281 = arith.addi %add3A_280, %add3A_279 : i32
      %get3A_282 = arith.index_cast %add3A_281 : i32 to index
      %get3A_283 = tpu.vector_load %arg7[%get3A_282] {strides = array<i32>} : memref<16384xi32, #tpu.memory_space<vmem>>, vector<16xi32>,
      %gather3A_284 = tpu.vector_load_idx %arg6[%get3A_283] : memref<100000xf32, #tpu.memory_space<vmem>>[vector<16xi32>], vector<16xf32>,
      %get3A_285 = arith.index_cast %add3A_279 : i32 to index
      %get3A_286 = tpu.vector_load %arg8[%get3A_285] {strides = array<i32>} : memref<4096xf32, #tpu.memory_space<vmem>>, vector<16xf32>,
      %sub3A_287 = arith.subf %get3A_286, %gather3A_284 : vector<16xf32>
      %mul3A_288 = arith.mulf %sub3A_287, %sub3A_287 : vector<16xf32>
      %add3A_289 = arith.addf %add3A_241, %mul3A_288 : vector<16xf32>
      scf.yield %add3A_253, %add3A_265, %add3A_277, %add3A_289 : vector<16xf32>, vector<16xf32>, vector<16xf32>, vector<16xf32>
    }
    %scan3A_40 = arith.constant 32 : i32
    %dma_start3A_41 = arith.constant 8192 : i32
    %dma_start3A_42 = tpu.memref_slice %arg2[%add3A_12, %dma_start3A_41] : memref<64x16384xf32, #tpu.memory_space<hbm>> -> memref<1x4096xf32, #tpu.memory_space<hbm>>
    %dma_start3A_43 = tpu.memref_squeeze %dma_start3A_42 : memref<1x4096xf32, #tpu.memory_space<hbm>> -> memref<4096xf32, #tpu.memory_space<hbm>>
    %dma_start3A_44 = arith.constant 8192 : i32
    %dma_start3A_45 = tpu.memref_slice %arg2[%add3A_12, %dma_start3A_44] : memref<64x16384xf32, #tpu.memory_space<hbm>> -> memref<1x4096xf32, #tpu.memory_space<hbm>>
    %dma_start3A_46 = tpu.memref_squeeze %dma_start3A_45 : memref<1x4096xf32, #tpu.memory_space<hbm>> -> memref<4096xf32, #tpu.memory_space<hbm>>
    tpu.enqueue_dma source(%dma_start3A_46 : memref<4096xf32, #tpu.memory_space<hbm>>) target(%arg8 : memref<4096xf32, #tpu.memory_space<vmem>>) target_semaphore(%arg12 : memref<!tpu.dma_semaphore, #tpu.memory_space<semaphore_mem>>)
    %dma_wait3A_47 = arith.constant 4096 : i32
    %dma_wait3A_48 = tpu.memref_slice %arg2[%add3A_12, %dma_wait3A_47] : memref<64x16384xf32, #tpu.memory_space<hbm>> -> memref<1x4096xf32, #tpu.memory_space<hbm>>
    %dma_wait3A_49 = tpu.memref_squeeze %dma_wait3A_48 : memref<1x4096xf32, #tpu.memory_space<hbm>> -> memref<4096xf32, #tpu.memory_space<hbm>>
    %dma_wait3A_50 = arith.constant 4096 : i32
    %dma_wait3A_51 = tpu.memref_slice %arg2[%add3A_12, %dma_wait3A_50] : memref<64x16384xf32, #tpu.memory_space<hbm>> -> memref<1x4096xf32, #tpu.memory_space<hbm>>
    %dma_wait3A_52 = tpu.memref_squeeze %dma_wait3A_51 : memref<1x4096xf32, #tpu.memory_space<hbm>> -> memref<4096xf32, #tpu.memory_space<hbm>>
    tpu.wait_dma2 semaphore(%arg13 : memref<!tpu.dma_semaphore, #tpu.memory_space<semaphore_mem>>) src(%dma_wait3A_52 : memref<4096xf32, #tpu.memory_space<hbm>>) dst(%arg9 : memref<4096xf32, #tpu.memory_space<vmem>>)
    %scan3A_53 = arith.constant 0 : i32
    %scan3A_54 = arith.constant 32 : i32
    %scan3A_55 = arith.addi %scan3A_53, %scan3A_54 : i32
    %scan3A_56 = arith.constant 1 : i32
    %scan3A_57:4 = scf.for %scan3A_190 = %scan3A_53 to %scan3A_55 step %scan3A_56 iter_args(%scan3A_191 = %scan3A_39#0, %scan3A_192 = %scan3A_39#1, %scan3A_193 = %scan3A_39#2, %scan3A_194 = %scan3A_39#3) -> (vector<16xf32>, vector<16xf32>, vector<16xf32>, vector<16xf32>)  : i32 {
      %mul3A_195 = arith.constant 128 : i32
      %mul3A_196 = arith.muli %scan3A_190, %mul3A_195 : i32
      %add3A_197 = arith.constant 0 : i32
      %add3A_198 = arith.addi %mul3A_196, %add3A_197 : i32
      %add3A_199 = arith.constant 4096 : i32
      %add3A_200 = arith.addi %add3A_199, %add3A_198 : i32
      %get3A = arith.index_cast %add3A_200 : i32 to index
      %get3A_201 = tpu.vector_load %arg7[%get3A] {strides = array<i32>} : memref<16384xi32, #tpu.memory_space<vmem>>, vector<16xi32>,
      %gather3A = tpu.vector_load_idx %arg6[%get3A_201] : memref<100000xf32, #tpu.memory_space<vmem>>[vector<16xi32>], vector<16xf32>,
      %get3A_202 = arith.index_cast %add3A_198 : i32 to index
      %get3A_203 = tpu.vector_load %arg9[%get3A_202] {strides = array<i32>} : memref<4096xf32, #tpu.memory_space<vmem>>, vector<16xf32>,
      %sub3A = arith.subf %get3A_203, %gather3A : vector<16xf32>
      %mul3A_204 = arith.mulf %sub3A, %sub3A : vector<16xf32>
      %add3A_205 = arith.addf %scan3A_191, %mul3A_204 : vector<16xf32>
      %add3A_206 = arith.constant 16 : i32
      %add3A_207 = arith.addi %mul3A_196, %add3A_206 : i32
      %add3A_208 = arith.constant 4096 : i32
      %add3A_209 = arith.addi %add3A_208, %add3A_207 : i32
      %get3A_210 = arith.index_cast %add3A_209 : i32 to index
      %get3A_211 = tpu.vector_load %arg7[%get3A_210] {strides = array<i32>} : memref<16384xi32, #tpu.memory_space<vmem>>, vector<16xi32>,
      %gather3A_212 = tpu.vector_load_idx %arg6[%get3A_211] : memref<100000xf32, #tpu.memory_space<vmem>>[vector<16xi32>], vector<16xf32>,
      %get3A_213 = arith.index_cast %add3A_207 : i32 to index
      %get3A_214 = tpu.vector_load %arg9[%get3A_213] {strides = array<i32>} : memref<4096xf32, #tpu.memory_space<vmem>>, vector<16xf32>,
      %sub3A_215 = arith.subf %get3A_214, %gather3A_212 : vector<16xf32>
      %mul3A_216 = arith.mulf %sub3A_215, %sub3A_215 : vector<16xf32>
      %add3A_217 = arith.addf %scan3A_192, %mul3A_216 : vector<16xf32>
      %add3A_218 = arith.constant 32 : i32
      %add3A_219 = arith.addi %mul3A_196, %add3A_218 : i32
      %add3A_220 = arith.constant 4096 : i32
      %add3A_221 = arith.addi %add3A_220, %add3A_219 : i32
      %get3A_222 = arith.index_cast %add3A_221 : i32 to index
      %get3A_223 = tpu.vector_load %arg7[%get3A_222] {strides = array<i32>} : memref<16384xi32, #tpu.memory_space<vmem>>, vector<16xi32>,
      %gather3A_224 = tpu.vector_load_idx %arg6[%get3A_223] : memref<100000xf32, #tpu.memory_space<vmem>>[vector<16xi32>], vector<16xf32>,
      %get3A_225 = arith.index_cast %add3A_219 : i32 to index
      %get3A_226 = tpu.vector_load %arg9[%get3A_225] {strides = array<i32>} : memref<4096xf32, #tpu.memory_space<vmem>>, vector<16xf32>,
      %sub3A_227 = arith.subf %get3A_226, %gather3A_224 : vector<16xf32>
      %mul3A_228 = arith.mulf %sub3A_227, %sub3A_227 : vector<16xf32>
      %add3A_229 = arith.addf %scan3A_193, %mul3A_228 : vector<16xf32>
      %add3A_230 = arith.constant 48 : i32
      %add3A_231 = arith.addi %mul3A_196, %add3A_230 : i32
      %add3A_232 = arith.constant 4096 : i32
      %add3A_233 = arith.addi %add3A_232, %add3A_231 : i32
      %get3A_234 = arith.index_cast %add3A_233 : i32 to index
      %get3A_235 = tpu.vector_load %arg7[%get3A_234] {strides = array<i32>} : memref<16384xi32, #tpu.memory_space<vmem>>, vector<16xi32>,
      %gather3A_236 = tpu.vector_load_idx %arg6[%get3A_235] : memref<100000xf32, #tpu.memory_space<vmem>>[vector<16xi32>], vector<16xf32>,
      %get3A_237 = arith.index_cast %add3A_231 : i32 to index
      %get3A_238 = tpu.vector_load %arg9[%get3A_237] {strides = array<i32>} : memref<4096xf32, #tpu.memory_space<vmem>>, vector<16xf32>,
      %sub3A_239 = arith.subf %get3A_238, %gather3A_236 : vector<16xf32>
      %mul3A_240 = arith.mulf %sub3A_239, %sub3A_239 : vector<16xf32>
      %add3A_241 = arith.addf %scan3A_194, %mul3A_240 : vector<16xf32>
      %add3A_242 = arith.constant 64 : i32
      %add3A_243 = arith.addi %mul3A_196, %add3A_242 : i32
      %add3A_244 = arith.constant 4096 : i32
      %add3A_245 = arith.addi %add3A_244, %add3A_243 : i32
      %get3A_246 = arith.index_cast %add3A_245 : i32 to index
      %get3A_247 = tpu.vector_load %arg7[%get3A_246] {strides = array<i32>} : memref<16384xi32, #tpu.memory_space<vmem>>, vector<16xi32>,
      %gather3A_248 = tpu.vector_load_idx %arg6[%get3A_247] : memref<100000xf32, #tpu.memory_space<vmem>>[vector<16xi32>], vector<16xf32>,
      %get3A_249 = arith.index_cast %add3A_243 : i32 to index
      %get3A_250 = tpu.vector_load %arg9[%get3A_249] {strides = array<i32>} : memref<4096xf32, #tpu.memory_space<vmem>>, vector<16xf32>,
      %sub3A_251 = arith.subf %get3A_250, %gather3A_248 : vector<16xf32>
      %mul3A_252 = arith.mulf %sub3A_251, %sub3A_251 : vector<16xf32>
      %add3A_253 = arith.addf %add3A_205, %mul3A_252 : vector<16xf32>
      %add3A_254 = arith.constant 80 : i32
      %add3A_255 = arith.addi %mul3A_196, %add3A_254 : i32
      %add3A_256 = arith.constant 4096 : i32
      %add3A_257 = arith.addi %add3A_256, %add3A_255 : i32
      %get3A_258 = arith.index_cast %add3A_257 : i32 to index
      %get3A_259 = tpu.vector_load %arg7[%get3A_258] {strides = array<i32>} : memref<16384xi32, #tpu.memory_space<vmem>>, vector<16xi32>,
      %gather3A_260 = tpu.vector_load_idx %arg6[%get3A_259] : memref<100000xf32, #tpu.memory_space<vmem>>[vector<16xi32>], vector<16xf32>,
      %get3A_261 = arith.index_cast %add3A_255 : i32 to index
      %get3A_262 = tpu.vector_load %arg9[%get3A_261] {strides = array<i32>} : memref<4096xf32, #tpu.memory_space<vmem>>, vector<16xf32>,
      %sub3A_263 = arith.subf %get3A_262, %gather3A_260 : vector<16xf32>
      %mul3A_264 = arith.mulf %sub3A_263, %sub3A_263 : vector<16xf32>
      %add3A_265 = arith.addf %add3A_217, %mul3A_264 : vector<16xf32>
      %add3A_266 = arith.constant 96 : i32
      %add3A_267 = arith.addi %mul3A_196, %add3A_266 : i32
      %add3A_268 = arith.constant 4096 : i32
      %add3A_269 = arith.addi %add3A_268, %add3A_267 : i32
      %get3A_270 = arith.index_cast %add3A_269 : i32 to index
      %get3A_271 = tpu.vector_load %arg7[%get3A_270] {strides = array<i32>} : memref<16384xi32, #tpu.memory_space<vmem>>, vector<16xi32>,
      %gather3A_272 = tpu.vector_load_idx %arg6[%get3A_271] : memref<100000xf32, #tpu.memory_space<vmem>>[vector<16xi32>], vector<16xf32>,
      %get3A_273 = arith.index_cast %add3A_267 : i32 to index
      %get3A_274 = tpu.vector_load %arg9[%get3A_273] {strides = array<i32>} : memref<4096xf32, #tpu.memory_space<vmem>>, vector<16xf32>,
      %sub3A_275 = arith.subf %get3A_274, %gather3A_272 : vector<16xf32>
      %mul3A_276 = arith.mulf %sub3A_275, %sub3A_275 : vector<16xf32>
      %add3A_277 = arith.addf %add3A_229, %mul3A_276 : vector<16xf32>
      %add3A_278 = arith.constant 112 : i32
      %add3A_279 = arith.addi %mul3A_196, %add3A_278 : i32
      %add3A_280 = arith.constant 4096 : i32
      %add3A_281 = arith.addi %add3A_280, %add3A_279 : i32
      %get3A_282 = arith.index_cast %add3A_281 : i32 to index
      %get3A_283 = tpu.vector_load %arg7[%get3A_282] {strides = array<i32>} : memref<16384xi32, #tpu.memory_space<vmem>>, vector<16xi32>,
      %gather3A_284 = tpu.vector_load_idx %arg6[%get3A_283] : memref<100000xf32, #tpu.memory_space<vmem>>[vector<16xi32>], vector<16xf32>,
      %get3A_285 = arith.index_cast %add3A_279 : i32 to index
      %get3A_286 = tpu.vector_load %arg9[%get3A_285] {strides = array<i32>} : memref<4096xf32, #tpu.memory_space<vmem>>, vector<16xf32>,
      %sub3A_287 = arith.subf %get3A_286, %gather3A_284 : vector<16xf32>
      %mul3A_288 = arith.mulf %sub3A_287, %sub3A_287 : vector<16xf32>
      %add3A_289 = arith.addf %add3A_241, %mul3A_288 : vector<16xf32>
      scf.yield %add3A_253, %add3A_265, %add3A_277, %add3A_289 : vector<16xf32>, vector<16xf32>, vector<16xf32>, vector<16xf32>
    }
    %scan3A_58 = arith.constant 32 : i32
    %dma_start3A_59 = arith.constant 12288 : i32
    %dma_start3A_60 = tpu.memref_slice %arg2[%add3A_12, %dma_start3A_59] : memref<64x16384xf32, #tpu.memory_space<hbm>> -> memref<1x4096xf32, #tpu.memory_space<hbm>>
    %dma_start3A_61 = tpu.memref_squeeze %dma_start3A_60 : memref<1x4096xf32, #tpu.memory_space<hbm>> -> memref<4096xf32, #tpu.memory_space<hbm>>
    %dma_start3A_62 = arith.constant 12288 : i32
    %dma_start3A_63 = tpu.memref_slice %arg2[%add3A_12, %dma_start3A_62] : memref<64x16384xf32, #tpu.memory_space<hbm>> -> memref<1x4096xf32, #tpu.memory_space<hbm>>
    %dma_start3A_64 = tpu.memref_squeeze %dma_start3A_63 : memref<1x4096xf32, #tpu.memory_space<hbm>> -> memref<4096xf32, #tpu.memory_space<hbm>>
    tpu.enqueue_dma source(%dma_start3A_64 : memref<4096xf32, #tpu.memory_space<hbm>>) target(%arg9 : memref<4096xf32, #tpu.memory_space<vmem>>) target_semaphore(%arg13 : memref<!tpu.dma_semaphore, #tpu.memory_space<semaphore_mem>>)
    %dma_wait3A_65 = arith.constant 8192 : i32
    %dma_wait3A_66 = tpu.memref_slice %arg2[%add3A_12, %dma_wait3A_65] : memref<64x16384xf32, #tpu.memory_space<hbm>> -> memref<1x4096xf32, #tpu.memory_space<hbm>>
    %dma_wait3A_67 = tpu.memref_squeeze %dma_wait3A_66 : memref<1x4096xf32, #tpu.memory_space<hbm>> -> memref<4096xf32, #tpu.memory_space<hbm>>
    %dma_wait3A_68 = arith.constant 8192 : i32
    %dma_wait3A_69 = tpu.memref_slice %arg2[%add3A_12, %dma_wait3A_68] : memref<64x16384xf32, #tpu.memory_space<hbm>> -> memref<1x4096xf32, #tpu.memory_space<hbm>>
    %dma_wait3A_70 = tpu.memref_squeeze %dma_wait3A_69 : memref<1x4096xf32, #tpu.memory_space<hbm>> -> memref<4096xf32, #tpu.memory_space<hbm>>
    tpu.wait_dma2 semaphore(%arg12 : memref<!tpu.dma_semaphore, #tpu.memory_space<semaphore_mem>>) src(%dma_wait3A_70 : memref<4096xf32, #tpu.memory_space<hbm>>) dst(%arg8 : memref<4096xf32, #tpu.memory_space<vmem>>)
    %scan3A_71 = arith.constant 0 : i32
    %scan3A_72 = arith.constant 32 : i32
    %scan3A_73 = arith.addi %scan3A_71, %scan3A_72 : i32
    %scan3A_74 = arith.constant 1 : i32
    %scan3A_75:4 = scf.for %scan3A_190 = %scan3A_71 to %scan3A_73 step %scan3A_74 iter_args(%scan3A_191 = %scan3A_57#0, %scan3A_192 = %scan3A_57#1, %scan3A_193 = %scan3A_57#2, %scan3A_194 = %scan3A_57#3) -> (vector<16xf32>, vector<16xf32>, vector<16xf32>, vector<16xf32>)  : i32 {
      %mul3A_195 = arith.constant 128 : i32
      %mul3A_196 = arith.muli %scan3A_190, %mul3A_195 : i32
      %add3A_197 = arith.constant 0 : i32
      %add3A_198 = arith.addi %mul3A_196, %add3A_197 : i32
      %add3A_199 = arith.constant 8192 : i32
      %add3A_200 = arith.addi %add3A_199, %add3A_198 : i32
      %get3A = arith.index_cast %add3A_200 : i32 to index
      %get3A_201 = tpu.vector_load %arg7[%get3A] {strides = array<i32>} : memref<16384xi32, #tpu.memory_space<vmem>>, vector<16xi32>,
      %gather3A = tpu.vector_load_idx %arg6[%get3A_201] : memref<100000xf32, #tpu.memory_space<vmem>>[vector<16xi32>], vector<16xf32>,
      %get3A_202 = arith.index_cast %add3A_198 : i32 to index
      %get3A_203 = tpu.vector_load %arg8[%get3A_202] {strides = array<i32>} : memref<4096xf32, #tpu.memory_space<vmem>>, vector<16xf32>,
      %sub3A = arith.subf %get3A_203, %gather3A : vector<16xf32>
      %mul3A_204 = arith.mulf %sub3A, %sub3A : vector<16xf32>
      %add3A_205 = arith.addf %scan3A_191, %mul3A_204 : vector<16xf32>
      %add3A_206 = arith.constant 16 : i32
      %add3A_207 = arith.addi %mul3A_196, %add3A_206 : i32
      %add3A_208 = arith.constant 8192 : i32
      %add3A_209 = arith.addi %add3A_208, %add3A_207 : i32
      %get3A_210 = arith.index_cast %add3A_209 : i32 to index
      %get3A_211 = tpu.vector_load %arg7[%get3A_210] {strides = array<i32>} : memref<16384xi32, #tpu.memory_space<vmem>>, vector<16xi32>,
      %gather3A_212 = tpu.vector_load_idx %arg6[%get3A_211] : memref<100000xf32, #tpu.memory_space<vmem>>[vector<16xi32>], vector<16xf32>,
      %get3A_213 = arith.index_cast %add3A_207 : i32 to index
      %get3A_214 = tpu.vector_load %arg8[%get3A_213] {strides = array<i32>} : memref<4096xf32, #tpu.memory_space<vmem>>, vector<16xf32>,
      %sub3A_215 = arith.subf %get3A_214, %gather3A_212 : vector<16xf32>
      %mul3A_216 = arith.mulf %sub3A_215, %sub3A_215 : vector<16xf32>
      %add3A_217 = arith.addf %scan3A_192, %mul3A_216 : vector<16xf32>
      %add3A_218 = arith.constant 32 : i32
      %add3A_219 = arith.addi %mul3A_196, %add3A_218 : i32
      %add3A_220 = arith.constant 8192 : i32
      %add3A_221 = arith.addi %add3A_220, %add3A_219 : i32
      %get3A_222 = arith.index_cast %add3A_221 : i32 to index
      %get3A_223 = tpu.vector_load %arg7[%get3A_222] {strides = array<i32>} : memref<16384xi32, #tpu.memory_space<vmem>>, vector<16xi32>,
      %gather3A_224 = tpu.vector_load_idx %arg6[%get3A_223] : memref<100000xf32, #tpu.memory_space<vmem>>[vector<16xi32>], vector<16xf32>,
      %get3A_225 = arith.index_cast %add3A_219 : i32 to index
      %get3A_226 = tpu.vector_load %arg8[%get3A_225] {strides = array<i32>} : memref<4096xf32, #tpu.memory_space<vmem>>, vector<16xf32>,
      %sub3A_227 = arith.subf %get3A_226, %gather3A_224 : vector<16xf32>
      %mul3A_228 = arith.mulf %sub3A_227, %sub3A_227 : vector<16xf32>
      %add3A_229 = arith.addf %scan3A_193, %mul3A_228 : vector<16xf32>
      %add3A_230 = arith.constant 48 : i32
      %add3A_231 = arith.addi %mul3A_196, %add3A_230 : i32
      %add3A_232 = arith.constant 8192 : i32
      %add3A_233 = arith.addi %add3A_232, %add3A_231 : i32
      %get3A_234 = arith.index_cast %add3A_233 : i32 to index
      %get3A_235 = tpu.vector_load %arg7[%get3A_234] {strides = array<i32>} : memref<16384xi32, #tpu.memory_space<vmem>>, vector<16xi32>,
      %gather3A_236 = tpu.vector_load_idx %arg6[%get3A_235] : memref<100000xf32, #tpu.memory_space<vmem>>[vector<16xi32>], vector<16xf32>,
      %get3A_237 = arith.index_cast %add3A_231 : i32 to index
      %get3A_238 = tpu.vector_load %arg8[%get3A_237] {strides = array<i32>} : memref<4096xf32, #tpu.memory_space<vmem>>, vector<16xf32>,
      %sub3A_239 = arith.subf %get3A_238, %gather3A_236 : vector<16xf32>
      %mul3A_240 = arith.mulf %sub3A_239, %sub3A_239 : vector<16xf32>
      %add3A_241 = arith.addf %scan3A_194, %mul3A_240 : vector<16xf32>
      %add3A_242 = arith.constant 64 : i32
      %add3A_243 = arith.addi %mul3A_196, %add3A_242 : i32
      %add3A_244 = arith.constant 8192 : i32
      %add3A_245 = arith.addi %add3A_244, %add3A_243 : i32
      %get3A_246 = arith.index_cast %add3A_245 : i32 to index
      %get3A_247 = tpu.vector_load %arg7[%get3A_246] {strides = array<i32>} : memref<16384xi32, #tpu.memory_space<vmem>>, vector<16xi32>,
      %gather3A_248 = tpu.vector_load_idx %arg6[%get3A_247] : memref<100000xf32, #tpu.memory_space<vmem>>[vector<16xi32>], vector<16xf32>,
      %get3A_249 = arith.index_cast %add3A_243 : i32 to index
      %get3A_250 = tpu.vector_load %arg8[%get3A_249] {strides = array<i32>} : memref<4096xf32, #tpu.memory_space<vmem>>, vector<16xf32>,
      %sub3A_251 = arith.subf %get3A_250, %gather3A_248 : vector<16xf32>
      %mul3A_252 = arith.mulf %sub3A_251, %sub3A_251 : vector<16xf32>
      %add3A_253 = arith.addf %add3A_205, %mul3A_252 : vector<16xf32>
      %add3A_254 = arith.constant 80 : i32
      %add3A_255 = arith.addi %mul3A_196, %add3A_254 : i32
      %add3A_256 = arith.constant 8192 : i32
      %add3A_257 = arith.addi %add3A_256, %add3A_255 : i32
      %get3A_258 = arith.index_cast %add3A_257 : i32 to index
      %get3A_259 = tpu.vector_load %arg7[%get3A_258] {strides = array<i32>} : memref<16384xi32, #tpu.memory_space<vmem>>, vector<16xi32>,
      %gather3A_260 = tpu.vector_load_idx %arg6[%get3A_259] : memref<100000xf32, #tpu.memory_space<vmem>>[vector<16xi32>], vector<16xf32>,
      %get3A_261 = arith.index_cast %add3A_255 : i32 to index
      %get3A_262 = tpu.vector_load %arg8[%get3A_261] {strides = array<i32>} : memref<4096xf32, #tpu.memory_space<vmem>>, vector<16xf32>,
      %sub3A_263 = arith.subf %get3A_262, %gather3A_260 : vector<16xf32>
      %mul3A_264 = arith.mulf %sub3A_263, %sub3A_263 : vector<16xf32>
      %add3A_265 = arith.addf %add3A_217, %mul3A_264 : vector<16xf32>
      %add3A_266 = arith.constant 96 : i32
      %add3A_267 = arith.addi %mul3A_196, %add3A_266 : i32
      %add3A_268 = arith.constant 8192 : i32
      %add3A_269 = arith.addi %add3A_268, %add3A_267 : i32
      %get3A_270 = arith.index_cast %add3A_269 : i32 to index
      %get3A_271 = tpu.vector_load %arg7[%get3A_270] {strides = array<i32>} : memref<16384xi32, #tpu.memory_space<vmem>>, vector<16xi32>,
      %gather3A_272 = tpu.vector_load_idx %arg6[%get3A_271] : memref<100000xf32, #tpu.memory_space<vmem>>[vector<16xi32>], vector<16xf32>,
      %get3A_273 = arith.index_cast %add3A_267 : i32 to index
      %get3A_274 = tpu.vector_load %arg8[%get3A_273] {strides = array<i32>} : memref<4096xf32, #tpu.memory_space<vmem>>, vector<16xf32>,
      %sub3A_275 = arith.subf %get3A_274, %gather3A_272 : vector<16xf32>
      %mul3A_276 = arith.mulf %sub3A_275, %sub3A_275 : vector<16xf32>
      %add3A_277 = arith.addf %add3A_229, %mul3A_276 : vector<16xf32>
      %add3A_278 = arith.constant 112 : i32
      %add3A_279 = arith.addi %mul3A_196, %add3A_278 : i32
      %add3A_280 = arith.constant 8192 : i32
      %add3A_281 = arith.addi %add3A_280, %add3A_279 : i32
      %get3A_282 = arith.index_cast %add3A_281 : i32 to index
      %get3A_283 = tpu.vector_load %arg7[%get3A_282] {strides = array<i32>} : memref<16384xi32, #tpu.memory_space<vmem>>, vector<16xi32>,
      %gather3A_284 = tpu.vector_load_idx %arg6[%get3A_283] : memref<100000xf32, #tpu.memory_space<vmem>>[vector<16xi32>], vector<16xf32>,
      %get3A_285 = arith.index_cast %add3A_279 : i32 to index
      %get3A_286 = tpu.vector_load %arg8[%get3A_285] {strides = array<i32>} : memref<4096xf32, #tpu.memory_space<vmem>>, vector<16xf32>,
      %sub3A_287 = arith.subf %get3A_286, %gather3A_284 : vector<16xf32>
      %mul3A_288 = arith.mulf %sub3A_287, %sub3A_287 : vector<16xf32>
      %add3A_289 = arith.addf %add3A_241, %mul3A_288 : vector<16xf32>
      scf.yield %add3A_253, %add3A_265, %add3A_277, %add3A_289 : vector<16xf32>, vector<16xf32>, vector<16xf32>, vector<16xf32>
    }
    %scan3A_76 = arith.constant 32 : i32
    %dma_wait3A_77 = arith.constant 12288 : i32
    %dma_wait3A_78 = tpu.memref_slice %arg2[%add3A_12, %dma_wait3A_77] : memref<64x16384xf32, #tpu.memory_space<hbm>> -> memref<1x4096xf32, #tpu.memory_space<hbm>>
    %dma_wait3A_79 = tpu.memref_squeeze %dma_wait3A_78 : memref<1x4096xf32, #tpu.memory_space<hbm>> -> memref<4096xf32, #tpu.memory_space<hbm>>
    %dma_wait3A_80 = arith.constant 12288 : i32
    %dma_wait3A_81 = tpu.memref_slice %arg2[%add3A_12, %dma_wait3A_80] : memref<64x16384xf32, #tpu.memory_space<hbm>> -> memref<1x4096xf32, #tpu.memory_space<hbm>>
    %dma_wait3A_82 = tpu.memref_squeeze %dma_wait3A_81 : memref<1x4096xf32, #tpu.memory_space<hbm>> -> memref<4096xf32, #tpu.memory_space<hbm>>
    tpu.wait_dma2 semaphore(%arg13 : memref<!tpu.dma_semaphore, #tpu.memory_space<semaphore_mem>>) src(%dma_wait3A_82 : memref<4096xf32, #tpu.memory_space<hbm>>) dst(%arg9 : memref<4096xf32, #tpu.memory_space<vmem>>)
    %scan3A_83 = arith.constant 0 : i32
    %scan3A_84 = arith.constant 32 : i32
    %scan3A_85 = arith.addi %scan3A_83, %scan3A_84 : i32
    %scan3A_86 = arith.constant 1 : i32
    %scan3A_87:4 = scf.for %scan3A_190 = %scan3A_83 to %scan3A_85 step %scan3A_86 iter_args(%scan3A_191 = %scan3A_75#0, %scan3A_192 = %scan3A_75#1, %scan3A_193 = %scan3A_75#2, %scan3A_194 = %scan3A_75#3) -> (vector<16xf32>, vector<16xf32>, vector<16xf32>, vector<16xf32>)  : i32 {
      %mul3A_195 = arith.constant 128 : i32
      %mul3A_196 = arith.muli %scan3A_190, %mul3A_195 : i32
      %add3A_197 = arith.constant 0 : i32
      %add3A_198 = arith.addi %mul3A_196, %add3A_197 : i32
      %add3A_199 = arith.constant 12288 : i32
      %add3A_200 = arith.addi %add3A_199, %add3A_198 : i32
      %get3A = arith.index_cast %add3A_200 : i32 to index
      %get3A_201 = tpu.vector_load %arg7[%get3A] {strides = array<i32>} : memref<16384xi32, #tpu.memory_space<vmem>>, vector<16xi32>,
      %gather3A = tpu.vector_load_idx %arg6[%get3A_201] : memref<100000xf32, #tpu.memory_space<vmem>>[vector<16xi32>], vector<16xf32>,
      %get3A_202 = arith.index_cast %add3A_198 : i32 to index
      %get3A_203 = tpu.vector_load %arg9[%get3A_202] {strides = array<i32>} : memref<4096xf32, #tpu.memory_space<vmem>>, vector<16xf32>,
      %sub3A = arith.subf %get3A_203, %gather3A : vector<16xf32>
      %mul3A_204 = arith.mulf %sub3A, %sub3A : vector<16xf32>
      %add3A_205 = arith.addf %scan3A_191, %mul3A_204 : vector<16xf32>
      %add3A_206 = arith.constant 16 : i32
      %add3A_207 = arith.addi %mul3A_196, %add3A_206 : i32
      %add3A_208 = arith.constant 12288 : i32
      %add3A_209 = arith.addi %add3A_208, %add3A_207 : i32
      %get3A_210 = arith.index_cast %add3A_209 : i32 to index
      %get3A_211 = tpu.vector_load %arg7[%get3A_210] {strides = array<i32>} : memref<16384xi32, #tpu.memory_space<vmem>>, vector<16xi32>,
      %gather3A_212 = tpu.vector_load_idx %arg6[%get3A_211] : memref<100000xf32, #tpu.memory_space<vmem>>[vector<16xi32>], vector<16xf32>,
      %get3A_213 = arith.index_cast %add3A_207 : i32 to index
      %get3A_214 = tpu.vector_load %arg9[%get3A_213] {strides = array<i32>} : memref<4096xf32, #tpu.memory_space<vmem>>, vector<16xf32>,
      %sub3A_215 = arith.subf %get3A_214, %gather3A_212 : vector<16xf32>
      %mul3A_216 = arith.mulf %sub3A_215, %sub3A_215 : vector<16xf32>
      %add3A_217 = arith.addf %scan3A_192, %mul3A_216 : vector<16xf32>
      %add3A_218 = arith.constant 32 : i32
      %add3A_219 = arith.addi %mul3A_196, %add3A_218 : i32
      %add3A_220 = arith.constant 12288 : i32
      %add3A_221 = arith.addi %add3A_220, %add3A_219 : i32
      %get3A_222 = arith.index_cast %add3A_221 : i32 to index
      %get3A_223 = tpu.vector_load %arg7[%get3A_222] {strides = array<i32>} : memref<16384xi32, #tpu.memory_space<vmem>>, vector<16xi32>,
      %gather3A_224 = tpu.vector_load_idx %arg6[%get3A_223] : memref<100000xf32, #tpu.memory_space<vmem>>[vector<16xi32>], vector<16xf32>,
      %get3A_225 = arith.index_cast %add3A_219 : i32 to index
      %get3A_226 = tpu.vector_load %arg9[%get3A_225] {strides = array<i32>} : memref<4096xf32, #tpu.memory_space<vmem>>, vector<16xf32>,
      %sub3A_227 = arith.subf %get3A_226, %gather3A_224 : vector<16xf32>
      %mul3A_228 = arith.mulf %sub3A_227, %sub3A_227 : vector<16xf32>
      %add3A_229 = arith.addf %scan3A_193, %mul3A_228 : vector<16xf32>
      %add3A_230 = arith.constant 48 : i32
      %add3A_231 = arith.addi %mul3A_196, %add3A_230 : i32
      %add3A_232 = arith.constant 12288 : i32
      %add3A_233 = arith.addi %add3A_232, %add3A_231 : i32
      %get3A_234 = arith.index_cast %add3A_233 : i32 to index
      %get3A_235 = tpu.vector_load %arg7[%get3A_234] {strides = array<i32>} : memref<16384xi32, #tpu.memory_space<vmem>>, vector<16xi32>,
      %gather3A_236 = tpu.vector_load_idx %arg6[%get3A_235] : memref<100000xf32, #tpu.memory_space<vmem>>[vector<16xi32>], vector<16xf32>,
      %get3A_237 = arith.index_cast %add3A_231 : i32 to index
      %get3A_238 = tpu.vector_load %arg9[%get3A_237] {strides = array<i32>} : memref<4096xf32, #tpu.memory_space<vmem>>, vector<16xf32>,
      %sub3A_239 = arith.subf %get3A_238, %gather3A_236 : vector<16xf32>
      %mul3A_240 = arith.mulf %sub3A_239, %sub3A_239 : vector<16xf32>
      %add3A_241 = arith.addf %scan3A_194, %mul3A_240 : vector<16xf32>
      %add3A_242 = arith.constant 64 : i32
      %add3A_243 = arith.addi %mul3A_196, %add3A_242 : i32
      %add3A_244 = arith.constant 12288 : i32
      %add3A_245 = arith.addi %add3A_244, %add3A_243 : i32
      %get3A_246 = arith.index_cast %add3A_245 : i32 to index
      %get3A_247 = tpu.vector_load %arg7[%get3A_246] {strides = array<i32>} : memref<16384xi32, #tpu.memory_space<vmem>>, vector<16xi32>,
      %gather3A_248 = tpu.vector_load_idx %arg6[%get3A_247] : memref<100000xf32, #tpu.memory_space<vmem>>[vector<16xi32>], vector<16xf32>,
      %get3A_249 = arith.index_cast %add3A_243 : i32 to index
      %get3A_250 = tpu.vector_load %arg9[%get3A_249] {strides = array<i32>} : memref<4096xf32, #tpu.memory_space<vmem>>, vector<16xf32>,
      %sub3A_251 = arith.subf %get3A_250, %gather3A_248 : vector<16xf32>
      %mul3A_252 = arith.mulf %sub3A_251, %sub3A_251 : vector<16xf32>
      %add3A_253 = arith.addf %add3A_205, %mul3A_252 : vector<16xf32>
      %add3A_254 = arith.constant 80 : i32
      %add3A_255 = arith.addi %mul3A_196, %add3A_254 : i32
      %add3A_256 = arith.constant 12288 : i32
      %add3A_257 = arith.addi %add3A_256, %add3A_255 : i32
      %get3A_258 = arith.index_cast %add3A_257 : i32 to index
      %get3A_259 = tpu.vector_load %arg7[%get3A_258] {strides = array<i32>} : memref<16384xi32, #tpu.memory_space<vmem>>, vector<16xi32>,
      %gather3A_260 = tpu.vector_load_idx %arg6[%get3A_259] : memref<100000xf32, #tpu.memory_space<vmem>>[vector<16xi32>], vector<16xf32>,
      %get3A_261 = arith.index_cast %add3A_255 : i32 to index
      %get3A_262 = tpu.vector_load %arg9[%get3A_261] {strides = array<i32>} : memref<4096xf32, #tpu.memory_space<vmem>>, vector<16xf32>,
      %sub3A_263 = arith.subf %get3A_262, %gather3A_260 : vector<16xf32>
      %mul3A_264 = arith.mulf %sub3A_263, %sub3A_263 : vector<16xf32>
      %add3A_265 = arith.addf %add3A_217, %mul3A_264 : vector<16xf32>
      %add3A_266 = arith.constant 96 : i32
      %add3A_267 = arith.addi %mul3A_196, %add3A_266 : i32
      %add3A_268 = arith.constant 12288 : i32
      %add3A_269 = arith.addi %add3A_268, %add3A_267 : i32
      %get3A_270 = arith.index_cast %add3A_269 : i32 to index
      %get3A_271 = tpu.vector_load %arg7[%get3A_270] {strides = array<i32>} : memref<16384xi32, #tpu.memory_space<vmem>>, vector<16xi32>,
      %gather3A_272 = tpu.vector_load_idx %arg6[%get3A_271] : memref<100000xf32, #tpu.memory_space<vmem>>[vector<16xi32>], vector<16xf32>,
      %get3A_273 = arith.index_cast %add3A_267 : i32 to index
      %get3A_274 = tpu.vector_load %arg9[%get3A_273] {strides = array<i32>} : memref<4096xf32, #tpu.memory_space<vmem>>, vector<16xf32>,
      %sub3A_275 = arith.subf %get3A_274, %gather3A_272 : vector<16xf32>
      %mul3A_276 = arith.mulf %sub3A_275, %sub3A_275 : vector<16xf32>
      %add3A_277 = arith.addf %add3A_229, %mul3A_276 : vector<16xf32>
      %add3A_278 = arith.constant 112 : i32
      %add3A_279 = arith.addi %mul3A_196, %add3A_278 : i32
      %add3A_280 = arith.constant 12288 : i32
      %add3A_281 = arith.addi %add3A_280, %add3A_279 : i32
      %get3A_282 = arith.index_cast %add3A_281 : i32 to index
      %get3A_283 = tpu.vector_load %arg7[%get3A_282] {strides = array<i32>} : memref<16384xi32, #tpu.memory_space<vmem>>, vector<16xi32>,
      %gather3A_284 = tpu.vector_load_idx %arg6[%get3A_283] : memref<100000xf32, #tpu.memory_space<vmem>>[vector<16xi32>], vector<16xf32>,
      %get3A_285 = arith.index_cast %add3A_279 : i32 to index
      %get3A_286 = tpu.vector_load %arg9[%get3A_285] {strides = array<i32>} : memref<4096xf32, #tpu.memory_space<vmem>>, vector<16xf32>,
      %sub3A_287 = arith.subf %get3A_286, %gather3A_284 : vector<16xf32>
      %mul3A_288 = arith.mulf %sub3A_287, %sub3A_287 : vector<16xf32>
      %add3A_289 = arith.addf %add3A_241, %mul3A_288 : vector<16xf32>
      scf.yield %add3A_253, %add3A_265, %add3A_277, %add3A_289 : vector<16xf32>, vector<16xf32>, vector<16xf32>, vector<16xf32>
    }
    %scan3A_88 = arith.constant 32 : i32
    %mul3A_89 = arith.constant 2 : i32
    %mul3A_90 = arith.muli %add3A, %mul3A_89 : i32
    %add3A_91 = arith.constant 0 : i32
    %add3A_92 = arith.addi %mul3A_90, %add3A_91 : i32
    %add3A_93 = arith.constant 1 : i32
    %add3A_94 = arith.addi %add3A_92, %add3A_93 : i32
    %dma_start3A_95 = arith.constant 0 : i32
    %dma_start3A_96 = tpu.memref_slice %arg4[%add3A_94, %dma_start3A_95] : memref<64x100000xf32, #tpu.memory_space<hbm>> -> memref<1x100000xf32, #tpu.memory_space<hbm>>
    %dma_start3A_97 = tpu.memref_squeeze %dma_start3A_96 : memref<1x100000xf32, #tpu.memory_space<hbm>> -> memref<100000xf32, #tpu.memory_space<hbm>>
    %dma_start3A_98 = arith.constant 0 : i32
    %dma_start3A_99 = tpu.memref_slice %arg4[%add3A_94, %dma_start3A_98] : memref<64x100000xf32, #tpu.memory_space<hbm>> -> memref<1x100000xf32, #tpu.memory_space<hbm>>
    %dma_start3A_100 = tpu.memref_squeeze %dma_start3A_99 : memref<1x100000xf32, #tpu.memory_space<hbm>> -> memref<100000xf32, #tpu.memory_space<hbm>>
    tpu.enqueue_dma source(%dma_start3A_100 : memref<100000xf32, #tpu.memory_space<hbm>>) target(%arg6 : memref<100000xf32, #tpu.memory_space<vmem>>) target_semaphore(%arg11 : memref<!tpu.dma_semaphore, #tpu.memory_space<semaphore_mem>>)
    %mul3A_101 = arith.constant 2 : i32
    %mul3A_102 = arith.muli %add3A, %mul3A_101 : i32
    %add3A_103 = arith.constant 1 : i32
    %add3A_104 = arith.addi %mul3A_102, %add3A_103 : i32
    %dma_start3A_105 = arith.constant 0 : i32
    %dma_start3A_106 = tpu.memref_slice %arg2[%add3A_104, %dma_start3A_105] : memref<64x16384xf32, #tpu.memory_space<hbm>> -> memref<1x4096xf32, #tpu.memory_space<hbm>>
    %dma_start3A_107 = tpu.memref_squeeze %dma_start3A_106 : memref<1x4096xf32, #tpu.memory_space<hbm>> -> memref<4096xf32, #tpu.memory_space<hbm>>
    %dma_start3A_108 = arith.constant 0 : i32
    %dma_start3A_109 = tpu.memref_slice %arg2[%add3A_104, %dma_start3A_108] : memref<64x16384xf32, #tpu.memory_space<hbm>> -> memref<1x4096xf32, #tpu.memory_space<hbm>>
    %dma_start3A_110 = tpu.memref_squeeze %dma_start3A_109 : memref<1x4096xf32, #tpu.memory_space<hbm>> -> memref<4096xf32, #tpu.memory_space<hbm>>
    tpu.enqueue_dma source(%dma_start3A_110 : memref<4096xf32, #tpu.memory_space<hbm>>) target(%arg8 : memref<4096xf32, #tpu.memory_space<vmem>>) target_semaphore(%arg12 : memref<!tpu.dma_semaphore, #tpu.memory_space<semaphore_mem>>)
    %dma_wait3A_111 = arith.constant 0 : i32
    %dma_wait3A_112 = tpu.memref_slice %arg4[%add3A_94, %dma_wait3A_111] : memref<64x100000xf32, #tpu.memory_space<hbm>> -> memref<1x100000xf32, #tpu.memory_space<hbm>>
    %dma_wait3A_113 = tpu.memref_squeeze %dma_wait3A_112 : memref<1x100000xf32, #tpu.memory_space<hbm>> -> memref<100000xf32, #tpu.memory_space<hbm>>
    %dma_wait3A_114 = arith.constant 0 : i32
    %dma_wait3A_115 = tpu.memref_slice %arg4[%add3A_94, %dma_wait3A_114] : memref<64x100000xf32, #tpu.memory_space<hbm>> -> memref<1x100000xf32, #tpu.memory_space<hbm>>
    %dma_wait3A_116 = tpu.memref_squeeze %dma_wait3A_115 : memref<1x100000xf32, #tpu.memory_space<hbm>> -> memref<100000xf32, #tpu.memory_space<hbm>>
    tpu.wait_dma2 semaphore(%arg11 : memref<!tpu.dma_semaphore, #tpu.memory_space<semaphore_mem>>) src(%dma_wait3A_116 : memref<100000xf32, #tpu.memory_space<hbm>>) dst(%arg6 : memref<100000xf32, #tpu.memory_space<vmem>>)
    %dma_start3A_117 = arith.constant 4096 : i32
    %dma_start3A_118 = tpu.memref_slice %arg2[%add3A_104, %dma_start3A_117] : memref<64x16384xf32, #tpu.memory_space<hbm>> -> memref<1x4096xf32, #tpu.memory_space<hbm>>
    %dma_start3A_119 = tpu.memref_squeeze %dma_start3A_118 : memref<1x4096xf32, #tpu.memory_space<hbm>> -> memref<4096xf32, #tpu.memory_space<hbm>>
    %dma_start3A_120 = arith.constant 4096 : i32
    %dma_start3A_121 = tpu.memref_slice %arg2[%add3A_104, %dma_start3A_120] : memref<64x16384xf32, #tpu.memory_space<hbm>> -> memref<1x4096xf32, #tpu.memory_space<hbm>>
    %dma_start3A_122 = tpu.memref_squeeze %dma_start3A_121 : memref<1x4096xf32, #tpu.memory_space<hbm>> -> memref<4096xf32, #tpu.memory_space<hbm>>
    tpu.enqueue_dma source(%dma_start3A_122 : memref<4096xf32, #tpu.memory_space<hbm>>) target(%arg9 : memref<4096xf32, #tpu.memory_space<vmem>>) target_semaphore(%arg13 : memref<!tpu.dma_semaphore, #tpu.memory_space<semaphore_mem>>)
    %dma_wait3A_123 = arith.constant 0 : i32
    %dma_wait3A_124 = tpu.memref_slice %arg2[%add3A_104, %dma_wait3A_123] : memref<64x16384xf32, #tpu.memory_space<hbm>> -> memref<1x4096xf32, #tpu.memory_space<hbm>>
    %dma_wait3A_125 = tpu.memref_squeeze %dma_wait3A_124 : memref<1x4096xf32, #tpu.memory_space<hbm>> -> memref<4096xf32, #tpu.memory_space<hbm>>
    %dma_wait3A_126 = arith.constant 0 : i32
    %dma_wait3A_127 = tpu.memref_slice %arg2[%add3A_104, %dma_wait3A_126] : memref<64x16384xf32, #tpu.memory_space<hbm>> -> memref<1x4096xf32, #tpu.memory_space<hbm>>
    %dma_wait3A_128 = tpu.memref_squeeze %dma_wait3A_127 : memref<1x4096xf32, #tpu.memory_space<hbm>> -> memref<4096xf32, #tpu.memory_space<hbm>>
    tpu.wait_dma2 semaphore(%arg12 : memref<!tpu.dma_semaphore, #tpu.memory_space<semaphore_mem>>) src(%dma_wait3A_128 : memref<4096xf32, #tpu.memory_space<hbm>>) dst(%arg8 : memref<4096xf32, #tpu.memory_space<vmem>>)
    %scan3A_129 = arith.constant 0 : i32
    %scan3A_130 = arith.constant 32 : i32
    %scan3A_131 = arith.addi %scan3A_129, %scan3A_130 : i32
    %scan3A_132 = arith.constant 1 : i32
    %scan3A_133:4 = scf.for %scan3A_190 = %scan3A_129 to %scan3A_131 step %scan3A_132 iter_args(%scan3A_191 = %scan3A_87#0, %scan3A_192 = %scan3A_87#1, %scan3A_193 = %scan3A_87#2, %scan3A_194 = %scan3A_87#3) -> (vector<16xf32>, vector<16xf32>, vector<16xf32>, vector<16xf32>)  : i32 {
      %mul3A_195 = arith.constant 128 : i32
      %mul3A_196 = arith.muli %scan3A_190, %mul3A_195 : i32
      %add3A_197 = arith.constant 0 : i32
      %add3A_198 = arith.addi %mul3A_196, %add3A_197 : i32
      %add3A_199 = arith.constant 0 : i32
      %add3A_200 = arith.addi %add3A_199, %add3A_198 : i32
      %get3A = arith.index_cast %add3A_200 : i32 to index
      %get3A_201 = tpu.vector_load %arg7[%get3A] {strides = array<i32>} : memref<16384xi32, #tpu.memory_space<vmem>>, vector<16xi32>,
      %gather3A = tpu.vector_load_idx %arg6[%get3A_201] : memref<100000xf32, #tpu.memory_space<vmem>>[vector<16xi32>], vector<16xf32>,
      %get3A_202 = arith.index_cast %add3A_198 : i32 to index
      %get3A_203 = tpu.vector_load %arg8[%get3A_202] {strides = array<i32>} : memref<4096xf32, #tpu.memory_space<vmem>>, vector<16xf32>,
      %sub3A = arith.subf %get3A_203, %gather3A : vector<16xf32>
      %mul3A_204 = arith.mulf %sub3A, %sub3A : vector<16xf32>
      %add3A_205 = arith.addf %scan3A_191, %mul3A_204 : vector<16xf32>
      %add3A_206 = arith.constant 16 : i32
      %add3A_207 = arith.addi %mul3A_196, %add3A_206 : i32
      %add3A_208 = arith.constant 0 : i32
      %add3A_209 = arith.addi %add3A_208, %add3A_207 : i32
      %get3A_210 = arith.index_cast %add3A_209 : i32 to index
      %get3A_211 = tpu.vector_load %arg7[%get3A_210] {strides = array<i32>} : memref<16384xi32, #tpu.memory_space<vmem>>, vector<16xi32>,
      %gather3A_212 = tpu.vector_load_idx %arg6[%get3A_211] : memref<100000xf32, #tpu.memory_space<vmem>>[vector<16xi32>], vector<16xf32>,
      %get3A_213 = arith.index_cast %add3A_207 : i32 to index
      %get3A_214 = tpu.vector_load %arg8[%get3A_213] {strides = array<i32>} : memref<4096xf32, #tpu.memory_space<vmem>>, vector<16xf32>,
      %sub3A_215 = arith.subf %get3A_214, %gather3A_212 : vector<16xf32>
      %mul3A_216 = arith.mulf %sub3A_215, %sub3A_215 : vector<16xf32>
      %add3A_217 = arith.addf %scan3A_192, %mul3A_216 : vector<16xf32>
      %add3A_218 = arith.constant 32 : i32
      %add3A_219 = arith.addi %mul3A_196, %add3A_218 : i32
      %add3A_220 = arith.constant 0 : i32
      %add3A_221 = arith.addi %add3A_220, %add3A_219 : i32
      %get3A_222 = arith.index_cast %add3A_221 : i32 to index
      %get3A_223 = tpu.vector_load %arg7[%get3A_222] {strides = array<i32>} : memref<16384xi32, #tpu.memory_space<vmem>>, vector<16xi32>,
      %gather3A_224 = tpu.vector_load_idx %arg6[%get3A_223] : memref<100000xf32, #tpu.memory_space<vmem>>[vector<16xi32>], vector<16xf32>,
      %get3A_225 = arith.index_cast %add3A_219 : i32 to index
      %get3A_226 = tpu.vector_load %arg8[%get3A_225] {strides = array<i32>} : memref<4096xf32, #tpu.memory_space<vmem>>, vector<16xf32>,
      %sub3A_227 = arith.subf %get3A_226, %gather3A_224 : vector<16xf32>
      %mul3A_228 = arith.mulf %sub3A_227, %sub3A_227 : vector<16xf32>
      %add3A_229 = arith.addf %scan3A_193, %mul3A_228 : vector<16xf32>
      %add3A_230 = arith.constant 48 : i32
      %add3A_231 = arith.addi %mul3A_196, %add3A_230 : i32
      %add3A_232 = arith.constant 0 : i32
      %add3A_233 = arith.addi %add3A_232, %add3A_231 : i32
      %get3A_234 = arith.index_cast %add3A_233 : i32 to index
      %get3A_235 = tpu.vector_load %arg7[%get3A_234] {strides = array<i32>} : memref<16384xi32, #tpu.memory_space<vmem>>, vector<16xi32>,
      %gather3A_236 = tpu.vector_load_idx %arg6[%get3A_235] : memref<100000xf32, #tpu.memory_space<vmem>>[vector<16xi32>], vector<16xf32>,
      %get3A_237 = arith.index_cast %add3A_231 : i32 to index
      %get3A_238 = tpu.vector_load %arg8[%get3A_237] {strides = array<i32>} : memref<4096xf32, #tpu.memory_space<vmem>>, vector<16xf32>,
      %sub3A_239 = arith.subf %get3A_238, %gather3A_236 : vector<16xf32>
      %mul3A_240 = arith.mulf %sub3A_239, %sub3A_239 : vector<16xf32>
      %add3A_241 = arith.addf %scan3A_194, %mul3A_240 : vector<16xf32>
      %add3A_242 = arith.constant 64 : i32
      %add3A_243 = arith.addi %mul3A_196, %add3A_242 : i32
      %add3A_244 = arith.constant 0 : i32
      %add3A_245 = arith.addi %add3A_244, %add3A_243 : i32
      %get3A_246 = arith.index_cast %add3A_245 : i32 to index
      %get3A_247 = tpu.vector_load %arg7[%get3A_246] {strides = array<i32>} : memref<16384xi32, #tpu.memory_space<vmem>>, vector<16xi32>,
      %gather3A_248 = tpu.vector_load_idx %arg6[%get3A_247] : memref<100000xf32, #tpu.memory_space<vmem>>[vector<16xi32>], vector<16xf32>,
      %get3A_249 = arith.index_cast %add3A_243 : i32 to index
      %get3A_250 = tpu.vector_load %arg8[%get3A_249] {strides = array<i32>} : memref<4096xf32, #tpu.memory_space<vmem>>, vector<16xf32>,
      %sub3A_251 = arith.subf %get3A_250, %gather3A_248 : vector<16xf32>
      %mul3A_252 = arith.mulf %sub3A_251, %sub3A_251 : vector<16xf32>
      %add3A_253 = arith.addf %add3A_205, %mul3A_252 : vector<16xf32>
      %add3A_254 = arith.constant 80 : i32
      %add3A_255 = arith.addi %mul3A_196, %add3A_254 : i32
      %add3A_256 = arith.constant 0 : i32
      %add3A_257 = arith.addi %add3A_256, %add3A_255 : i32
      %get3A_258 = arith.index_cast %add3A_257 : i32 to index
      %get3A_259 = tpu.vector_load %arg7[%get3A_258] {strides = array<i32>} : memref<16384xi32, #tpu.memory_space<vmem>>, vector<16xi32>,
      %gather3A_260 = tpu.vector_load_idx %arg6[%get3A_259] : memref<100000xf32, #tpu.memory_space<vmem>>[vector<16xi32>], vector<16xf32>,
      %get3A_261 = arith.index_cast %add3A_255 : i32 to index
      %get3A_262 = tpu.vector_load %arg8[%get3A_261] {strides = array<i32>} : memref<4096xf32, #tpu.memory_space<vmem>>, vector<16xf32>,
      %sub3A_263 = arith.subf %get3A_262, %gather3A_260 : vector<16xf32>
      %mul3A_264 = arith.mulf %sub3A_263, %sub3A_263 : vector<16xf32>
      %add3A_265 = arith.addf %add3A_217, %mul3A_264 : vector<16xf32>
      %add3A_266 = arith.constant 96 : i32
      %add3A_267 = arith.addi %mul3A_196, %add3A_266 : i32
      %add3A_268 = arith.constant 0 : i32
      %add3A_269 = arith.addi %add3A_268, %add3A_267 : i32
      %get3A_270 = arith.index_cast %add3A_269 : i32 to index
      %get3A_271 = tpu.vector_load %arg7[%get3A_270] {strides = array<i32>} : memref<16384xi32, #tpu.memory_space<vmem>>, vector<16xi32>,
      %gather3A_272 = tpu.vector_load_idx %arg6[%get3A_271] : memref<100000xf32, #tpu.memory_space<vmem>>[vector<16xi32>], vector<16xf32>,
      %get3A_273 = arith.index_cast %add3A_267 : i32 to index
      %get3A_274 = tpu.vector_load %arg8[%get3A_273] {strides = array<i32>} : memref<4096xf32, #tpu.memory_space<vmem>>, vector<16xf32>,
      %sub3A_275 = arith.subf %get3A_274, %gather3A_272 : vector<16xf32>
      %mul3A_276 = arith.mulf %sub3A_275, %sub3A_275 : vector<16xf32>
      %add3A_277 = arith.addf %add3A_229, %mul3A_276 : vector<16xf32>
      %add3A_278 = arith.constant 112 : i32
      %add3A_279 = arith.addi %mul3A_196, %add3A_278 : i32
      %add3A_280 = arith.constant 0 : i32
      %add3A_281 = arith.addi %add3A_280, %add3A_279 : i32
      %get3A_282 = arith.index_cast %add3A_281 : i32 to index
      %get3A_283 = tpu.vector_load %arg7[%get3A_282] {strides = array<i32>} : memref<16384xi32, #tpu.memory_space<vmem>>, vector<16xi32>,
      %gather3A_284 = tpu.vector_load_idx %arg6[%get3A_283] : memref<100000xf32, #tpu.memory_space<vmem>>[vector<16xi32>], vector<16xf32>,
      %get3A_285 = arith.index_cast %add3A_279 : i32 to index
      %get3A_286 = tpu.vector_load %arg8[%get3A_285] {strides = array<i32>} : memref<4096xf32, #tpu.memory_space<vmem>>, vector<16xf32>,
      %sub3A_287 = arith.subf %get3A_286, %gather3A_284 : vector<16xf32>
      %mul3A_288 = arith.mulf %sub3A_287, %sub3A_287 : vector<16xf32>
      %add3A_289 = arith.addf %add3A_241, %mul3A_288 : vector<16xf32>
      scf.yield %add3A_253, %add3A_265, %add3A_277, %add3A_289 : vector<16xf32>, vector<16xf32>, vector<16xf32>, vector<16xf32>
    }
    %scan3A_134 = arith.constant 32 : i32
    %dma_start3A_135 = arith.constant 8192 : i32
    %dma_start3A_136 = tpu.memref_slice %arg2[%add3A_104, %dma_start3A_135] : memref<64x16384xf32, #tpu.memory_space<hbm>> -> memref<1x4096xf32, #tpu.memory_space<hbm>>
    %dma_start3A_137 = tpu.memref_squeeze %dma_start3A_136 : memref<1x4096xf32, #tpu.memory_space<hbm>> -> memref<4096xf32, #tpu.memory_space<hbm>>
    %dma_start3A_138 = arith.constant 8192 : i32
    %dma_start3A_139 = tpu.memref_slice %arg2[%add3A_104, %dma_start3A_138] : memref<64x16384xf32, #tpu.memory_space<hbm>> -> memref<1x4096xf32, #tpu.memory_space<hbm>>
    %dma_start3A_140 = tpu.memref_squeeze %dma_start3A_139 : memref<1x4096xf32, #tpu.memory_space<hbm>> -> memref<4096xf32, #tpu.memory_space<hbm>>
    tpu.enqueue_dma source(%dma_start3A_140 : memref<4096xf32, #tpu.memory_space<hbm>>) target(%arg8 : memref<4096xf32, #tpu.memory_space<vmem>>) target_semaphore(%arg12 : memref<!tpu.dma_semaphore, #tpu.memory_space<semaphore_mem>>)
    %dma_wait3A_141 = arith.constant 4096 : i32
    %dma_wait3A_142 = tpu.memref_slice %arg2[%add3A_104, %dma_wait3A_141] : memref<64x16384xf32, #tpu.memory_space<hbm>> -> memref<1x4096xf32, #tpu.memory_space<hbm>>
    %dma_wait3A_143 = tpu.memref_squeeze %dma_wait3A_142 : memref<1x4096xf32, #tpu.memory_space<hbm>> -> memref<4096xf32, #tpu.memory_space<hbm>>
    %dma_wait3A_144 = arith.constant 4096 : i32
    %dma_wait3A_145 = tpu.memref_slice %arg2[%add3A_104, %dma_wait3A_144] : memref<64x16384xf32, #tpu.memory_space<hbm>> -> memref<1x4096xf32, #tpu.memory_space<hbm>>
    %dma_wait3A_146 = tpu.memref_squeeze %dma_wait3A_145 : memref<1x4096xf32, #tpu.memory_space<hbm>> -> memref<4096xf32, #tpu.memory_space<hbm>>
    tpu.wait_dma2 semaphore(%arg13 : memref<!tpu.dma_semaphore, #tpu.memory_space<semaphore_mem>>) src(%dma_wait3A_146 : memref<4096xf32, #tpu.memory_space<hbm>>) dst(%arg9 : memref<4096xf32, #tpu.memory_space<vmem>>)
    %scan3A_147 = arith.constant 0 : i32
    %scan3A_148 = arith.constant 32 : i32
    %scan3A_149 = arith.addi %scan3A_147, %scan3A_148 : i32
    %scan3A_150 = arith.constant 1 : i32
    %scan3A_151:4 = scf.for %scan3A_190 = %scan3A_147 to %scan3A_149 step %scan3A_150 iter_args(%scan3A_191 = %scan3A_133#0, %scan3A_192 = %scan3A_133#1, %scan3A_193 = %scan3A_133#2, %scan3A_194 = %scan3A_133#3) -> (vector<16xf32>, vector<16xf32>, vector<16xf32>, vector<16xf32>)  : i32 {
      %mul3A_195 = arith.constant 128 : i32
      %mul3A_196 = arith.muli %scan3A_190, %mul3A_195 : i32
      %add3A_197 = arith.constant 0 : i32
      %add3A_198 = arith.addi %mul3A_196, %add3A_197 : i32
      %add3A_199 = arith.constant 4096 : i32
      %add3A_200 = arith.addi %add3A_199, %add3A_198 : i32
      %get3A = arith.index_cast %add3A_200 : i32 to index
      %get3A_201 = tpu.vector_load %arg7[%get3A] {strides = array<i32>} : memref<16384xi32, #tpu.memory_space<vmem>>, vector<16xi32>,
      %gather3A = tpu.vector_load_idx %arg6[%get3A_201] : memref<100000xf32, #tpu.memory_space<vmem>>[vector<16xi32>], vector<16xf32>,
      %get3A_202 = arith.index_cast %add3A_198 : i32 to index
      %get3A_203 = tpu.vector_load %arg9[%get3A_202] {strides = array<i32>} : memref<4096xf32, #tpu.memory_space<vmem>>, vector<16xf32>,
      %sub3A = arith.subf %get3A_203, %gather3A : vector<16xf32>
      %mul3A_204 = arith.mulf %sub3A, %sub3A : vector<16xf32>
      %add3A_205 = arith.addf %scan3A_191, %mul3A_204 : vector<16xf32>
      %add3A_206 = arith.constant 16 : i32
      %add3A_207 = arith.addi %mul3A_196, %add3A_206 : i32
      %add3A_208 = arith.constant 4096 : i32
      %add3A_209 = arith.addi %add3A_208, %add3A_207 : i32
      %get3A_210 = arith.index_cast %add3A_209 : i32 to index
      %get3A_211 = tpu.vector_load %arg7[%get3A_210] {strides = array<i32>} : memref<16384xi32, #tpu.memory_space<vmem>>, vector<16xi32>,
      %gather3A_212 = tpu.vector_load_idx %arg6[%get3A_211] : memref<100000xf32, #tpu.memory_space<vmem>>[vector<16xi32>], vector<16xf32>,
      %get3A_213 = arith.index_cast %add3A_207 : i32 to index
      %get3A_214 = tpu.vector_load %arg9[%get3A_213] {strides = array<i32>} : memref<4096xf32, #tpu.memory_space<vmem>>, vector<16xf32>,
      %sub3A_215 = arith.subf %get3A_214, %gather3A_212 : vector<16xf32>
      %mul3A_216 = arith.mulf %sub3A_215, %sub3A_215 : vector<16xf32>
      %add3A_217 = arith.addf %scan3A_192, %mul3A_216 : vector<16xf32>
      %add3A_218 = arith.constant 32 : i32
      %add3A_219 = arith.addi %mul3A_196, %add3A_218 : i32
      %add3A_220 = arith.constant 4096 : i32
      %add3A_221 = arith.addi %add3A_220, %add3A_219 : i32
      %get3A_222 = arith.index_cast %add3A_221 : i32 to index
      %get3A_223 = tpu.vector_load %arg7[%get3A_222] {strides = array<i32>} : memref<16384xi32, #tpu.memory_space<vmem>>, vector<16xi32>,
      %gather3A_224 = tpu.vector_load_idx %arg6[%get3A_223] : memref<100000xf32, #tpu.memory_space<vmem>>[vector<16xi32>], vector<16xf32>,
      %get3A_225 = arith.index_cast %add3A_219 : i32 to index
      %get3A_226 = tpu.vector_load %arg9[%get3A_225] {strides = array<i32>} : memref<4096xf32, #tpu.memory_space<vmem>>, vector<16xf32>,
      %sub3A_227 = arith.subf %get3A_226, %gather3A_224 : vector<16xf32>
      %mul3A_228 = arith.mulf %sub3A_227, %sub3A_227 : vector<16xf32>
      %add3A_229 = arith.addf %scan3A_193, %mul3A_228 : vector<16xf32>
      %add3A_230 = arith.constant 48 : i32
      %add3A_231 = arith.addi %mul3A_196, %add3A_230 : i32
      %add3A_232 = arith.constant 4096 : i32
      %add3A_233 = arith.addi %add3A_232, %add3A_231 : i32
      %get3A_234 = arith.index_cast %add3A_233 : i32 to index
      %get3A_235 = tpu.vector_load %arg7[%get3A_234] {strides = array<i32>} : memref<16384xi32, #tpu.memory_space<vmem>>, vector<16xi32>,
      %gather3A_236 = tpu.vector_load_idx %arg6[%get3A_235] : memref<100000xf32, #tpu.memory_space<vmem>>[vector<16xi32>], vector<16xf32>,
      %get3A_237 = arith.index_cast %add3A_231 : i32 to index
      %get3A_238 = tpu.vector_load %arg9[%get3A_237] {strides = array<i32>} : memref<4096xf32, #tpu.memory_space<vmem>>, vector<16xf32>,
      %sub3A_239 = arith.subf %get3A_238, %gather3A_236 : vector<16xf32>
      %mul3A_240 = arith.mulf %sub3A_239, %sub3A_239 : vector<16xf32>
      %add3A_241 = arith.addf %scan3A_194, %mul3A_240 : vector<16xf32>
      %add3A_242 = arith.constant 64 : i32
      %add3A_243 = arith.addi %mul3A_196, %add3A_242 : i32
      %add3A_244 = arith.constant 4096 : i32
      %add3A_245 = arith.addi %add3A_244, %add3A_243 : i32
      %get3A_246 = arith.index_cast %add3A_245 : i32 to index
      %get3A_247 = tpu.vector_load %arg7[%get3A_246] {strides = array<i32>} : memref<16384xi32, #tpu.memory_space<vmem>>, vector<16xi32>,
      %gather3A_248 = tpu.vector_load_idx %arg6[%get3A_247] : memref<100000xf32, #tpu.memory_space<vmem>>[vector<16xi32>], vector<16xf32>,
      %get3A_249 = arith.index_cast %add3A_243 : i32 to index
      %get3A_250 = tpu.vector_load %arg9[%get3A_249] {strides = array<i32>} : memref<4096xf32, #tpu.memory_space<vmem>>, vector<16xf32>,
      %sub3A_251 = arith.subf %get3A_250, %gather3A_248 : vector<16xf32>
      %mul3A_252 = arith.mulf %sub3A_251, %sub3A_251 : vector<16xf32>
      %add3A_253 = arith.addf %add3A_205, %mul3A_252 : vector<16xf32>
      %add3A_254 = arith.constant 80 : i32
      %add3A_255 = arith.addi %mul3A_196, %add3A_254 : i32
      %add3A_256 = arith.constant 4096 : i32
      %add3A_257 = arith.addi %add3A_256, %add3A_255 : i32
      %get3A_258 = arith.index_cast %add3A_257 : i32 to index
      %get3A_259 = tpu.vector_load %arg7[%get3A_258] {strides = array<i32>} : memref<16384xi32, #tpu.memory_space<vmem>>, vector<16xi32>,
      %gather3A_260 = tpu.vector_load_idx %arg6[%get3A_259] : memref<100000xf32, #tpu.memory_space<vmem>>[vector<16xi32>], vector<16xf32>,
      %get3A_261 = arith.index_cast %add3A_255 : i32 to index
      %get3A_262 = tpu.vector_load %arg9[%get3A_261] {strides = array<i32>} : memref<4096xf32, #tpu.memory_space<vmem>>, vector<16xf32>,
      %sub3A_263 = arith.subf %get3A_262, %gather3A_260 : vector<16xf32>
      %mul3A_264 = arith.mulf %sub3A_263, %sub3A_263 : vector<16xf32>
      %add3A_265 = arith.addf %add3A_217, %mul3A_264 : vector<16xf32>
      %add3A_266 = arith.constant 96 : i32
      %add3A_267 = arith.addi %mul3A_196, %add3A_266 : i32
      %add3A_268 = arith.constant 4096 : i32
      %add3A_269 = arith.addi %add3A_268, %add3A_267 : i32
      %get3A_270 = arith.index_cast %add3A_269 : i32 to index
      %get3A_271 = tpu.vector_load %arg7[%get3A_270] {strides = array<i32>} : memref<16384xi32, #tpu.memory_space<vmem>>, vector<16xi32>,
      %gather3A_272 = tpu.vector_load_idx %arg6[%get3A_271] : memref<100000xf32, #tpu.memory_space<vmem>>[vector<16xi32>], vector<16xf32>,
      %get3A_273 = arith.index_cast %add3A_267 : i32 to index
      %get3A_274 = tpu.vector_load %arg9[%get3A_273] {strides = array<i32>} : memref<4096xf32, #tpu.memory_space<vmem>>, vector<16xf32>,
      %sub3A_275 = arith.subf %get3A_274, %gather3A_272 : vector<16xf32>
      %mul3A_276 = arith.mulf %sub3A_275, %sub3A_275 : vector<16xf32>
      %add3A_277 = arith.addf %add3A_229, %mul3A_276 : vector<16xf32>
      %add3A_278 = arith.constant 112 : i32
      %add3A_279 = arith.addi %mul3A_196, %add3A_278 : i32
      %add3A_280 = arith.constant 4096 : i32
      %add3A_281 = arith.addi %add3A_280, %add3A_279 : i32
      %get3A_282 = arith.index_cast %add3A_281 : i32 to index
      %get3A_283 = tpu.vector_load %arg7[%get3A_282] {strides = array<i32>} : memref<16384xi32, #tpu.memory_space<vmem>>, vector<16xi32>,
      %gather3A_284 = tpu.vector_load_idx %arg6[%get3A_283] : memref<100000xf32, #tpu.memory_space<vmem>>[vector<16xi32>], vector<16xf32>,
      %get3A_285 = arith.index_cast %add3A_279 : i32 to index
      %get3A_286 = tpu.vector_load %arg9[%get3A_285] {strides = array<i32>} : memref<4096xf32, #tpu.memory_space<vmem>>, vector<16xf32>,
      %sub3A_287 = arith.subf %get3A_286, %gather3A_284 : vector<16xf32>
      %mul3A_288 = arith.mulf %sub3A_287, %sub3A_287 : vector<16xf32>
      %add3A_289 = arith.addf %add3A_241, %mul3A_288 : vector<16xf32>
      scf.yield %add3A_253, %add3A_265, %add3A_277, %add3A_289 : vector<16xf32>, vector<16xf32>, vector<16xf32>, vector<16xf32>
    }
    %scan3A_152 = arith.constant 32 : i32
    %dma_start3A_153 = arith.constant 12288 : i32
    %dma_start3A_154 = tpu.memref_slice %arg2[%add3A_104, %dma_start3A_153] : memref<64x16384xf32, #tpu.memory_space<hbm>> -> memref<1x4096xf32, #tpu.memory_space<hbm>>
    %dma_start3A_155 = tpu.memref_squeeze %dma_start3A_154 : memref<1x4096xf32, #tpu.memory_space<hbm>> -> memref<4096xf32, #tpu.memory_space<hbm>>
    %dma_start3A_156 = arith.constant 12288 : i32
    %dma_start3A_157 = tpu.memref_slice %arg2[%add3A_104, %dma_start3A_156] : memref<64x16384xf32, #tpu.memory_space<hbm>> -> memref<1x4096xf32, #tpu.memory_space<hbm>>
    %dma_start3A_158 = tpu.memref_squeeze %dma_start3A_157 : memref<1x4096xf32, #tpu.memory_space<hbm>> -> memref<4096xf32, #tpu.memory_space<hbm>>
    tpu.enqueue_dma source(%dma_start3A_158 : memref<4096xf32, #tpu.memory_space<hbm>>) target(%arg9 : memref<4096xf32, #tpu.memory_space<vmem>>) target_semaphore(%arg13 : memref<!tpu.dma_semaphore, #tpu.memory_space<semaphore_mem>>)
    %dma_wait3A_159 = arith.constant 8192 : i32
    %dma_wait3A_160 = tpu.memref_slice %arg2[%add3A_104, %dma_wait3A_159] : memref<64x16384xf32, #tpu.memory_space<hbm>> -> memref<1x4096xf32, #tpu.memory_space<hbm>>
    %dma_wait3A_161 = tpu.memref_squeeze %dma_wait3A_160 : memref<1x4096xf32, #tpu.memory_space<hbm>> -> memref<4096xf32, #tpu.memory_space<hbm>>
    %dma_wait3A_162 = arith.constant 8192 : i32
    %dma_wait3A_163 = tpu.memref_slice %arg2[%add3A_104, %dma_wait3A_162] : memref<64x16384xf32, #tpu.memory_space<hbm>> -> memref<1x4096xf32, #tpu.memory_space<hbm>>
    %dma_wait3A_164 = tpu.memref_squeeze %dma_wait3A_163 : memref<1x4096xf32, #tpu.memory_space<hbm>> -> memref<4096xf32, #tpu.memory_space<hbm>>
    tpu.wait_dma2 semaphore(%arg12 : memref<!tpu.dma_semaphore, #tpu.memory_space<semaphore_mem>>) src(%dma_wait3A_164 : memref<4096xf32, #tpu.memory_space<hbm>>) dst(%arg8 : memref<4096xf32, #tpu.memory_space<vmem>>)
    %scan3A_165 = arith.constant 0 : i32
    %scan3A_166 = arith.constant 32 : i32
    %scan3A_167 = arith.addi %scan3A_165, %scan3A_166 : i32
    %scan3A_168 = arith.constant 1 : i32
    %scan3A_169:4 = scf.for %scan3A_190 = %scan3A_165 to %scan3A_167 step %scan3A_168 iter_args(%scan3A_191 = %scan3A_151#0, %scan3A_192 = %scan3A_151#1, %scan3A_193 = %scan3A_151#2, %scan3A_194 = %scan3A_151#3) -> (vector<16xf32>, vector<16xf32>, vector<16xf32>, vector<16xf32>)  : i32 {
      %mul3A_195 = arith.constant 128 : i32
      %mul3A_196 = arith.muli %scan3A_190, %mul3A_195 : i32
      %add3A_197 = arith.constant 0 : i32
      %add3A_198 = arith.addi %mul3A_196, %add3A_197 : i32
      %add3A_199 = arith.constant 8192 : i32
      %add3A_200 = arith.addi %add3A_199, %add3A_198 : i32
      %get3A = arith.index_cast %add3A_200 : i32 to index
      %get3A_201 = tpu.vector_load %arg7[%get3A] {strides = array<i32>} : memref<16384xi32, #tpu.memory_space<vmem>>, vector<16xi32>,
      %gather3A = tpu.vector_load_idx %arg6[%get3A_201] : memref<100000xf32, #tpu.memory_space<vmem>>[vector<16xi32>], vector<16xf32>,
      %get3A_202 = arith.index_cast %add3A_198 : i32 to index
      %get3A_203 = tpu.vector_load %arg8[%get3A_202] {strides = array<i32>} : memref<4096xf32, #tpu.memory_space<vmem>>, vector<16xf32>,
      %sub3A = arith.subf %get3A_203, %gather3A : vector<16xf32>
      %mul3A_204 = arith.mulf %sub3A, %sub3A : vector<16xf32>
      %add3A_205 = arith.addf %scan3A_191, %mul3A_204 : vector<16xf32>
      %add3A_206 = arith.constant 16 : i32
      %add3A_207 = arith.addi %mul3A_196, %add3A_206 : i32
      %add3A_208 = arith.constant 8192 : i32
      %add3A_209 = arith.addi %add3A_208, %add3A_207 : i32
      %get3A_210 = arith.index_cast %add3A_209 : i32 to index
      %get3A_211 = tpu.vector_load %arg7[%get3A_210] {strides = array<i32>} : memref<16384xi32, #tpu.memory_space<vmem>>, vector<16xi32>,
      %gather3A_212 = tpu.vector_load_idx %arg6[%get3A_211] : memref<100000xf32, #tpu.memory_space<vmem>>[vector<16xi32>], vector<16xf32>,
      %get3A_213 = arith.index_cast %add3A_207 : i32 to index
      %get3A_214 = tpu.vector_load %arg8[%get3A_213] {strides = array<i32>} : memref<4096xf32, #tpu.memory_space<vmem>>, vector<16xf32>,
      %sub3A_215 = arith.subf %get3A_214, %gather3A_212 : vector<16xf32>
      %mul3A_216 = arith.mulf %sub3A_215, %sub3A_215 : vector<16xf32>
      %add3A_217 = arith.addf %scan3A_192, %mul3A_216 : vector<16xf32>
      %add3A_218 = arith.constant 32 : i32
      %add3A_219 = arith.addi %mul3A_196, %add3A_218 : i32
      %add3A_220 = arith.constant 8192 : i32
      %add3A_221 = arith.addi %add3A_220, %add3A_219 : i32
      %get3A_222 = arith.index_cast %add3A_221 : i32 to index
      %get3A_223 = tpu.vector_load %arg7[%get3A_222] {strides = array<i32>} : memref<16384xi32, #tpu.memory_space<vmem>>, vector<16xi32>,
      %gather3A_224 = tpu.vector_load_idx %arg6[%get3A_223] : memref<100000xf32, #tpu.memory_space<vmem>>[vector<16xi32>], vector<16xf32>,
      %get3A_225 = arith.index_cast %add3A_219 : i32 to index
      %get3A_226 = tpu.vector_load %arg8[%get3A_225] {strides = array<i32>} : memref<4096xf32, #tpu.memory_space<vmem>>, vector<16xf32>,
      %sub3A_227 = arith.subf %get3A_226, %gather3A_224 : vector<16xf32>
      %mul3A_228 = arith.mulf %sub3A_227, %sub3A_227 : vector<16xf32>
      %add3A_229 = arith.addf %scan3A_193, %mul3A_228 : vector<16xf32>
      %add3A_230 = arith.constant 48 : i32
      %add3A_231 = arith.addi %mul3A_196, %add3A_230 : i32
      %add3A_232 = arith.constant 8192 : i32
      %add3A_233 = arith.addi %add3A_232, %add3A_231 : i32
      %get3A_234 = arith.index_cast %add3A_233 : i32 to index
      %get3A_235 = tpu.vector_load %arg7[%get3A_234] {strides = array<i32>} : memref<16384xi32, #tpu.memory_space<vmem>>, vector<16xi32>,
      %gather3A_236 = tpu.vector_load_idx %arg6[%get3A_235] : memref<100000xf32, #tpu.memory_space<vmem>>[vector<16xi32>], vector<16xf32>,
      %get3A_237 = arith.index_cast %add3A_231 : i32 to index
      %get3A_238 = tpu.vector_load %arg8[%get3A_237] {strides = array<i32>} : memref<4096xf32, #tpu.memory_space<vmem>>, vector<16xf32>,
      %sub3A_239 = arith.subf %get3A_238, %gather3A_236 : vector<16xf32>
      %mul3A_240 = arith.mulf %sub3A_239, %sub3A_239 : vector<16xf32>
      %add3A_241 = arith.addf %scan3A_194, %mul3A_240 : vector<16xf32>
      %add3A_242 = arith.constant 64 : i32
      %add3A_243 = arith.addi %mul3A_196, %add3A_242 : i32
      %add3A_244 = arith.constant 8192 : i32
      %add3A_245 = arith.addi %add3A_244, %add3A_243 : i32
      %get3A_246 = arith.index_cast %add3A_245 : i32 to index
      %get3A_247 = tpu.vector_load %arg7[%get3A_246] {strides = array<i32>} : memref<16384xi32, #tpu.memory_space<vmem>>, vector<16xi32>,
      %gather3A_248 = tpu.vector_load_idx %arg6[%get3A_247] : memref<100000xf32, #tpu.memory_space<vmem>>[vector<16xi32>], vector<16xf32>,
      %get3A_249 = arith.index_cast %add3A_243 : i32 to index
      %get3A_250 = tpu.vector_load %arg8[%get3A_249] {strides = array<i32>} : memref<4096xf32, #tpu.memory_space<vmem>>, vector<16xf32>,
      %sub3A_251 = arith.subf %get3A_250, %gather3A_248 : vector<16xf32>
      %mul3A_252 = arith.mulf %sub3A_251, %sub3A_251 : vector<16xf32>
      %add3A_253 = arith.addf %add3A_205, %mul3A_252 : vector<16xf32>
      %add3A_254 = arith.constant 80 : i32
      %add3A_255 = arith.addi %mul3A_196, %add3A_254 : i32
      %add3A_256 = arith.constant 8192 : i32
      %add3A_257 = arith.addi %add3A_256, %add3A_255 : i32
      %get3A_258 = arith.index_cast %add3A_257 : i32 to index
      %get3A_259 = tpu.vector_load %arg7[%get3A_258] {strides = array<i32>} : memref<16384xi32, #tpu.memory_space<vmem>>, vector<16xi32>,
      %gather3A_260 = tpu.vector_load_idx %arg6[%get3A_259] : memref<100000xf32, #tpu.memory_space<vmem>>[vector<16xi32>], vector<16xf32>,
      %get3A_261 = arith.index_cast %add3A_255 : i32 to index
      %get3A_262 = tpu.vector_load %arg8[%get3A_261] {strides = array<i32>} : memref<4096xf32, #tpu.memory_space<vmem>>, vector<16xf32>,
      %sub3A_263 = arith.subf %get3A_262, %gather3A_260 : vector<16xf32>
      %mul3A_264 = arith.mulf %sub3A_263, %sub3A_263 : vector<16xf32>
      %add3A_265 = arith.addf %add3A_217, %mul3A_264 : vector<16xf32>
      %add3A_266 = arith.constant 96 : i32
      %add3A_267 = arith.addi %mul3A_196, %add3A_266 : i32
      %add3A_268 = arith.constant 8192 : i32
      %add3A_269 = arith.addi %add3A_268, %add3A_267 : i32
      %get3A_270 = arith.index_cast %add3A_269 : i32 to index
      %get3A_271 = tpu.vector_load %arg7[%get3A_270] {strides = array<i32>} : memref<16384xi32, #tpu.memory_space<vmem>>, vector<16xi32>,
      %gather3A_272 = tpu.vector_load_idx %arg6[%get3A_271] : memref<100000xf32, #tpu.memory_space<vmem>>[vector<16xi32>], vector<16xf32>,
      %get3A_273 = arith.index_cast %add3A_267 : i32 to index
      %get3A_274 = tpu.vector_load %arg8[%get3A_273] {strides = array<i32>} : memref<4096xf32, #tpu.memory_space<vmem>>, vector<16xf32>,
      %sub3A_275 = arith.subf %get3A_274, %gather3A_272 : vector<16xf32>
      %mul3A_276 = arith.mulf %sub3A_275, %sub3A_275 : vector<16xf32>
      %add3A_277 = arith.addf %add3A_229, %mul3A_276 : vector<16xf32>
      %add3A_278 = arith.constant 112 : i32
      %add3A_279 = arith.addi %mul3A_196, %add3A_278 : i32
      %add3A_280 = arith.constant 8192 : i32
      %add3A_281 = arith.addi %add3A_280, %add3A_279 : i32
      %get3A_282 = arith.index_cast %add3A_281 : i32 to index
      %get3A_283 = tpu.vector_load %arg7[%get3A_282] {strides = array<i32>} : memref<16384xi32, #tpu.memory_space<vmem>>, vector<16xi32>,
      %gather3A_284 = tpu.vector_load_idx %arg6[%get3A_283] : memref<100000xf32, #tpu.memory_space<vmem>>[vector<16xi32>], vector<16xf32>,
      %get3A_285 = arith.index_cast %add3A_279 : i32 to index
      %get3A_286 = tpu.vector_load %arg8[%get3A_285] {strides = array<i32>} : memref<4096xf32, #tpu.memory_space<vmem>>, vector<16xf32>,
      %sub3A_287 = arith.subf %get3A_286, %gather3A_284 : vector<16xf32>
      %mul3A_288 = arith.mulf %sub3A_287, %sub3A_287 : vector<16xf32>
      %add3A_289 = arith.addf %add3A_241, %mul3A_288 : vector<16xf32>
      scf.yield %add3A_253, %add3A_265, %add3A_277, %add3A_289 : vector<16xf32>, vector<16xf32>, vector<16xf32>, vector<16xf32>
    }
    %scan3A_170 = arith.constant 32 : i32
    %dma_wait3A_171 = arith.constant 12288 : i32
    %dma_wait3A_172 = tpu.memref_slice %arg2[%add3A_104, %dma_wait3A_171] : memref<64x16384xf32, #tpu.memory_space<hbm>> -> memref<1x4096xf32, #tpu.memory_space<hbm>>
    %dma_wait3A_173 = tpu.memref_squeeze %dma_wait3A_172 : memref<1x4096xf32, #tpu.memory_space<hbm>> -> memref<4096xf32, #tpu.memory_space<hbm>>
    %dma_wait3A_174 = arith.constant 12288 : i32
    %dma_wait3A_175 = tpu.memref_slice %arg2[%add3A_104, %dma_wait3A_174] : memref<64x16384xf32, #tpu.memory_space<hbm>> -> memref<1x4096xf32, #tpu.memory_space<hbm>>
    %dma_wait3A_176 = tpu.memref_squeeze %dma_wait3A_175 : memref<1x4096xf32, #tpu.memory_space<hbm>> -> memref<4096xf32, #tpu.memory_space<hbm>>
    tpu.wait_dma2 semaphore(%arg13 : memref<!tpu.dma_semaphore, #tpu.memory_space<semaphore_mem>>) src(%dma_wait3A_176 : memref<4096xf32, #tpu.memory_space<hbm>>) dst(%arg9 : memref<4096xf32, #tpu.memory_space<vmem>>)
    %scan3A_177 = arith.constant 0 : i32
    %scan3A_178 = arith.constant 32 : i32
    %scan3A_179 = arith.addi %scan3A_177, %scan3A_178 : i32
    %scan3A_180 = arith.constant 1 : i32
    %scan3A_181:4 = scf.for %scan3A_190 = %scan3A_177 to %scan3A_179 step %scan3A_180 iter_args(%scan3A_191 = %scan3A_169#0, %scan3A_192 = %scan3A_169#1, %scan3A_193 = %scan3A_169#2, %scan3A_194 = %scan3A_169#3) -> (vector<16xf32>, vector<16xf32>, vector<16xf32>, vector<16xf32>)  : i32 {
      %mul3A_195 = arith.constant 128 : i32
      %mul3A_196 = arith.muli %scan3A_190, %mul3A_195 : i32
      %add3A_197 = arith.constant 0 : i32
      %add3A_198 = arith.addi %mul3A_196, %add3A_197 : i32
      %add3A_199 = arith.constant 12288 : i32
      %add3A_200 = arith.addi %add3A_199, %add3A_198 : i32
      %get3A = arith.index_cast %add3A_200 : i32 to index
      %get3A_201 = tpu.vector_load %arg7[%get3A] {strides = array<i32>} : memref<16384xi32, #tpu.memory_space<vmem>>, vector<16xi32>,
      %gather3A = tpu.vector_load_idx %arg6[%get3A_201] : memref<100000xf32, #tpu.memory_space<vmem>>[vector<16xi32>], vector<16xf32>,
      %get3A_202 = arith.index_cast %add3A_198 : i32 to index
      %get3A_203 = tpu.vector_load %arg9[%get3A_202] {strides = array<i32>} : memref<4096xf32, #tpu.memory_space<vmem>>, vector<16xf32>,
      %sub3A = arith.subf %get3A_203, %gather3A : vector<16xf32>
      %mul3A_204 = arith.mulf %sub3A, %sub3A : vector<16xf32>
      %add3A_205 = arith.addf %scan3A_191, %mul3A_204 : vector<16xf32>
      %add3A_206 = arith.constant 16 : i32
      %add3A_207 = arith.addi %mul3A_196, %add3A_206 : i32
      %add3A_208 = arith.constant 12288 : i32
      %add3A_209 = arith.addi %add3A_208, %add3A_207 : i32
      %get3A_210 = arith.index_cast %add3A_209 : i32 to index
      %get3A_211 = tpu.vector_load %arg7[%get3A_210] {strides = array<i32>} : memref<16384xi32, #tpu.memory_space<vmem>>, vector<16xi32>,
      %gather3A_212 = tpu.vector_load_idx %arg6[%get3A_211] : memref<100000xf32, #tpu.memory_space<vmem>>[vector<16xi32>], vector<16xf32>,
      %get3A_213 = arith.index_cast %add3A_207 : i32 to index
      %get3A_214 = tpu.vector_load %arg9[%get3A_213] {strides = array<i32>} : memref<4096xf32, #tpu.memory_space<vmem>>, vector<16xf32>,
      %sub3A_215 = arith.subf %get3A_214, %gather3A_212 : vector<16xf32>
      %mul3A_216 = arith.mulf %sub3A_215, %sub3A_215 : vector<16xf32>
      %add3A_217 = arith.addf %scan3A_192, %mul3A_216 : vector<16xf32>
      %add3A_218 = arith.constant 32 : i32
      %add3A_219 = arith.addi %mul3A_196, %add3A_218 : i32
      %add3A_220 = arith.constant 12288 : i32
      %add3A_221 = arith.addi %add3A_220, %add3A_219 : i32
      %get3A_222 = arith.index_cast %add3A_221 : i32 to index
      %get3A_223 = tpu.vector_load %arg7[%get3A_222] {strides = array<i32>} : memref<16384xi32, #tpu.memory_space<vmem>>, vector<16xi32>,
      %gather3A_224 = tpu.vector_load_idx %arg6[%get3A_223] : memref<100000xf32, #tpu.memory_space<vmem>>[vector<16xi32>], vector<16xf32>,
      %get3A_225 = arith.index_cast %add3A_219 : i32 to index
      %get3A_226 = tpu.vector_load %arg9[%get3A_225] {strides = array<i32>} : memref<4096xf32, #tpu.memory_space<vmem>>, vector<16xf32>,
      %sub3A_227 = arith.subf %get3A_226, %gather3A_224 : vector<16xf32>
      %mul3A_228 = arith.mulf %sub3A_227, %sub3A_227 : vector<16xf32>
      %add3A_229 = arith.addf %scan3A_193, %mul3A_228 : vector<16xf32>
      %add3A_230 = arith.constant 48 : i32
      %add3A_231 = arith.addi %mul3A_196, %add3A_230 : i32
      %add3A_232 = arith.constant 12288 : i32
      %add3A_233 = arith.addi %add3A_232, %add3A_231 : i32
      %get3A_234 = arith.index_cast %add3A_233 : i32 to index
      %get3A_235 = tpu.vector_load %arg7[%get3A_234] {strides = array<i32>} : memref<16384xi32, #tpu.memory_space<vmem>>, vector<16xi32>,
      %gather3A_236 = tpu.vector_load_idx %arg6[%get3A_235] : memref<100000xf32, #tpu.memory_space<vmem>>[vector<16xi32>], vector<16xf32>,
      %get3A_237 = arith.index_cast %add3A_231 : i32 to index
      %get3A_238 = tpu.vector_load %arg9[%get3A_237] {strides = array<i32>} : memref<4096xf32, #tpu.memory_space<vmem>>, vector<16xf32>,
      %sub3A_239 = arith.subf %get3A_238, %gather3A_236 : vector<16xf32>
      %mul3A_240 = arith.mulf %sub3A_239, %sub3A_239 : vector<16xf32>
      %add3A_241 = arith.addf %scan3A_194, %mul3A_240 : vector<16xf32>
      %add3A_242 = arith.constant 64 : i32
      %add3A_243 = arith.addi %mul3A_196, %add3A_242 : i32
      %add3A_244 = arith.constant 12288 : i32
      %add3A_245 = arith.addi %add3A_244, %add3A_243 : i32
      %get3A_246 = arith.index_cast %add3A_245 : i32 to index
      %get3A_247 = tpu.vector_load %arg7[%get3A_246] {strides = array<i32>} : memref<16384xi32, #tpu.memory_space<vmem>>, vector<16xi32>,
      %gather3A_248 = tpu.vector_load_idx %arg6[%get3A_247] : memref<100000xf32, #tpu.memory_space<vmem>>[vector<16xi32>], vector<16xf32>,
      %get3A_249 = arith.index_cast %add3A_243 : i32 to index
      %get3A_250 = tpu.vector_load %arg9[%get3A_249] {strides = array<i32>} : memref<4096xf32, #tpu.memory_space<vmem>>, vector<16xf32>,
      %sub3A_251 = arith.subf %get3A_250, %gather3A_248 : vector<16xf32>
      %mul3A_252 = arith.mulf %sub3A_251, %sub3A_251 : vector<16xf32>
      %add3A_253 = arith.addf %add3A_205, %mul3A_252 : vector<16xf32>
      %add3A_254 = arith.constant 80 : i32
      %add3A_255 = arith.addi %mul3A_196, %add3A_254 : i32
      %add3A_256 = arith.constant 12288 : i32
      %add3A_257 = arith.addi %add3A_256, %add3A_255 : i32
      %get3A_258 = arith.index_cast %add3A_257 : i32 to index
      %get3A_259 = tpu.vector_load %arg7[%get3A_258] {strides = array<i32>} : memref<16384xi32, #tpu.memory_space<vmem>>, vector<16xi32>,
      %gather3A_260 = tpu.vector_load_idx %arg6[%get3A_259] : memref<100000xf32, #tpu.memory_space<vmem>>[vector<16xi32>], vector<16xf32>,
      %get3A_261 = arith.index_cast %add3A_255 : i32 to index
      %get3A_262 = tpu.vector_load %arg9[%get3A_261] {strides = array<i32>} : memref<4096xf32, #tpu.memory_space<vmem>>, vector<16xf32>,
      %sub3A_263 = arith.subf %get3A_262, %gather3A_260 : vector<16xf32>
      %mul3A_264 = arith.mulf %sub3A_263, %sub3A_263 : vector<16xf32>
      %add3A_265 = arith.addf %add3A_217, %mul3A_264 : vector<16xf32>
      %add3A_266 = arith.constant 96 : i32
      %add3A_267 = arith.addi %mul3A_196, %add3A_266 : i32
      %add3A_268 = arith.constant 12288 : i32
      %add3A_269 = arith.addi %add3A_268, %add3A_267 : i32
      %get3A_270 = arith.index_cast %add3A_269 : i32 to index
      %get3A_271 = tpu.vector_load %arg7[%get3A_270] {strides = array<i32>} : memref<16384xi32, #tpu.memory_space<vmem>>, vector<16xi32>,
      %gather3A_272 = tpu.vector_load_idx %arg6[%get3A_271] : memref<100000xf32, #tpu.memory_space<vmem>>[vector<16xi32>], vector<16xf32>,
      %get3A_273 = arith.index_cast %add3A_267 : i32 to index
      %get3A_274 = tpu.vector_load %arg9[%get3A_273] {strides = array<i32>} : memref<4096xf32, #tpu.memory_space<vmem>>, vector<16xf32>,
      %sub3A_275 = arith.subf %get3A_274, %gather3A_272 : vector<16xf32>
      %mul3A_276 = arith.mulf %sub3A_275, %sub3A_275 : vector<16xf32>
      %add3A_277 = arith.addf %add3A_229, %mul3A_276 : vector<16xf32>
      %add3A_278 = arith.constant 112 : i32
      %add3A_279 = arith.addi %mul3A_196, %add3A_278 : i32
      %add3A_280 = arith.constant 12288 : i32
      %add3A_281 = arith.addi %add3A_280, %add3A_279 : i32
      %get3A_282 = arith.index_cast %add3A_281 : i32 to index
      %get3A_283 = tpu.vector_load %arg7[%get3A_282] {strides = array<i32>} : memref<16384xi32, #tpu.memory_space<vmem>>, vector<16xi32>,
      %gather3A_284 = tpu.vector_load_idx %arg6[%get3A_283] : memref<100000xf32, #tpu.memory_space<vmem>>[vector<16xi32>], vector<16xf32>,
      %get3A_285 = arith.index_cast %add3A_279 : i32 to index
      %get3A_286 = tpu.vector_load %arg9[%get3A_285] {strides = array<i32>} : memref<4096xf32, #tpu.memory_space<vmem>>, vector<16xf32>,
      %sub3A_287 = arith.subf %get3A_286, %gather3A_284 : vector<16xf32>
      %mul3A_288 = arith.mulf %sub3A_287, %sub3A_287 : vector<16xf32>
      %add3A_289 = arith.addf %add3A_241, %mul3A_288 : vector<16xf32>
      scf.yield %add3A_253, %add3A_265, %add3A_277, %add3A_289 : vector<16xf32>, vector<16xf32>, vector<16xf32>, vector<16xf32>
    }
    %scan3A_182 = arith.constant 32 : i32
    %add3A_183 = arith.addf %scan3A_181#0, %scan3A_181#1 : vector<16xf32>
    %add3A_184 = arith.addf %scan3A_181#2, %scan3A_181#3 : vector<16xf32>
    %add3A_185 = arith.addf %add3A_183, %add3A_184 : vector<16xf32>
    %mul3A_186 = arith.constant 3.05175781E-5 : f32
    %mul3A_187 = vector.broadcast %mul3A_186 : f32 to vector<16xf32>
    %mul3A_188 = arith.mulf %add3A_185, %mul3A_187 : vector<16xf32>
    %swap3A = arith.constant 0 : index
    %swap3A_189 = tpu.vector_load %arg10[%swap3A] {strides = array<i32>} : memref<16xf32, #tpu.memory_space<vmem>>, vector<16xf32>,
    tpu.vector_store %arg10[%swap3A], %mul3A_188 {strides = array<i32>} : memref<16xf32, #tpu.memory_space<vmem>>, vector<16xf32>,
    "tpu.region"() ({
      %run_scoped3A = tpu.sem_alloc : memref<!tpu.dma_semaphore, #tpu.memory_space<semaphore_mem>>
      %dma_start3A_190 = arith.constant 0 : i32
      %dma_start3A_191 = tpu.memref_slice %arg5[%add3A, %dma_start3A_190] : memref<32x16xf32, #tpu.memory_space<hbm>> -> memref<1x16xf32, #tpu.memory_space<hbm>>
      %dma_start3A_192 = tpu.memref_squeeze %dma_start3A_191 : memref<1x16xf32, #tpu.memory_space<hbm>> -> memref<16xf32, #tpu.memory_space<hbm>>
      %dma_start3A_193 = arith.constant 0 : i32
      %dma_start3A_194 = tpu.memref_slice %arg5[%add3A, %dma_start3A_193] : memref<32x16xf32, #tpu.memory_space<hbm>> -> memref<1x16xf32, #tpu.memory_space<hbm>>
      %dma_start3A_195 = tpu.memref_squeeze %dma_start3A_194 : memref<1x16xf32, #tpu.memory_space<hbm>> -> memref<16xf32, #tpu.memory_space<hbm>>
      tpu.enqueue_dma source(%arg10 : memref<16xf32, #tpu.memory_space<vmem>>) target(%dma_start3A_195 : memref<16xf32, #tpu.memory_space<hbm>>) target_semaphore(%run_scoped3A : memref<!tpu.dma_semaphore, #tpu.memory_space<semaphore_mem>>)
      %dma_wait3A_196 = arith.constant 0 : i32
      %dma_wait3A_197 = tpu.memref_slice %arg5[%add3A, %dma_wait3A_196] : memref<32x16xf32, #tpu.memory_space<hbm>> -> memref<1x16xf32, #tpu.memory_space<hbm>>
      %dma_wait3A_198 = tpu.memref_squeeze %dma_wait3A_197 : memref<1x16xf32, #tpu.memory_space<hbm>> -> memref<16xf32, #tpu.memory_space<hbm>>
      %dma_wait3A_199 = arith.constant 0 : i32
      %dma_wait3A_200 = tpu.memref_slice %arg5[%add3A, %dma_wait3A_199] : memref<32x16xf32, #tpu.memory_space<hbm>> -> memref<1x16xf32, #tpu.memory_space<hbm>>
      %dma_wait3A_201 = tpu.memref_squeeze %dma_wait3A_200 : memref<1x16xf32, #tpu.memory_space<hbm>> -> memref<16xf32, #tpu.memory_space<hbm>>
      tpu.wait_dma2 semaphore(%run_scoped3A : memref<!tpu.dma_semaphore, #tpu.memory_space<semaphore_mem>>) src(%arg10 : memref<16xf32, #tpu.memory_space<vmem>>) dst(%dma_wait3A_201 : memref<16xf32, #tpu.memory_space<hbm>>)
      tpu.yield
    }) : () -> ()
    return
  }
}

</mosaic_0001>

<sc_bundles>
// kernel: kernel.3.cloned.1.call-start
scs
__scs_entry_jumppad:
0x0: {  	(pc) =	sbr.rel $0x88, $3  }
0x1: {  	(tag) =	ssettag $0x0;
	lr =	simm.s32 $0x1  }
0x2: {  	[smem:$0x3F9E] =	sst lr;
	_ =	strace $0xD0000000  }
0x3: {  	_ = 	snop  }
0x4: {  	_ = 	snop  }
0x5: {  	_ = 	snop  }
0x6: {  	_ = 	snop  }
0x7: {  	_ = 	snop  }
__scs_overlays_trampoline_lowered:
0x8: {  	[smem:$0x3FAD] =	sst s0  }
0x9: {  	[smem:$0x3FAE] =	sst s1  }
0xa: {  	[smem:$0x3FAF] =	sst s2  }
0xb: {  	[smem:$0x3FB0] =	sst s3  }
0xc: {  	[smem:$0x3FB1] =	sst s4  }
0xd: {  	[smem:$0x3FB2] =	sst s5  }
0xe: {  	[smem:$0x3FB3] =	sst s6  }
0xf: {  	[smem:$0x3FB4] =	sst s7  }
0x10: {  	[smem:$0x3FB5] =	sst s8  }
0x11: {  	[smem:$0x3FB6] =	sst s9;
	s0 =	simm.s32 @!p0 $0x0  }
0x12: {  	s1 =	sld [smem:$0x3F9C];
	s0 =	simm.s32 @p0 $0x1  }
0x13: {  	[smem:$0x3FB7] =	sst s0;
	s0 =	simm.s32 @!p1 $0x0  }
0x14: {  	s2 =	sld [smem:$0x3F9B];
	s0 =	simm.s32 @p1 $0x1  }
0x15: {  	[smem:$0x3FB8] =	sst s0;
	s0 =	simm.s32 @!p2 $0x0  }
0x16: {  	s3 =	sld [smem:$0x3FDB];
	s0 =	simm.s32 @p2 $0x1  }
0x17: {  	s4 =	simm.s32 $0x1BF5;
	[smem:$0x3FBA] =	sst s0  }
0x18: {  	s0 =	sld [smem:$0x3F9D];
	_ =	swait.ge [sflag:s4], $0x0  }
0x19: {  	s7 =	sld [smem:$0x3F9E]  }
0x1a: {  	s8 =	sadd.s32 $0xFFFFE003, lr  }
0x1b: {  	s9 =	sadd.s32 $0xFFFFFEF7, lr;
	s5 =	simm.s32 $0xFFFFFFFF;
	p2 =	slt.u32 s8, $0xFFFFF086  }
0x1c: {  	p1 =	slt.u32 s9, $0xF7A;
	s5 =	simm.s32 @!p2 $0x0  }
0x1d: {  	s5 =	simm.s32 @p1 $0x1;
	p0 =	seq.s32 s7, s2  }
0x1e: {  	s7 =	smul.u32 @!p0 $0xF7A, s2;
	p2 =	seq.s32 @!p0 s5, $0x0  }
0x1f: {  	s9 =	smul.u32 $0xF7A, s1;
	s8 =	simm.s32 @!p0 $0x1BF5;
	p2 =	por !p2, p0  }
0x20: {  	[sflag:s8] =	ssyncset.s32 @!p0 $0xFFFFF086;
	s6 =	sadd.s32 @!p0 s3, s7;
	s7 =	simm.s32 @!p0 $0x108  }
0x21: {  	s3 =	sadd.s32 s3, s9;
	s6 =	sadd.s32 @!p0 $0x88, s6;
	s7 =	simm.s32 @p2 $0x1082  }
0x22: {  	[simem:s7], [sflag:s8] =	dma.local @!p0 [hbm:s6], $0xF7A  }
0x23: {  	s9 =	sor.u32 $0xD0000000, s2;
	s6 =	simm.s32 $0x108;
	_ =	swait.ge @!p0 [sflag:s8], $0x0  }
0x24: {  	s3 =	sadd.s32 $0x88, s3;
	s6 =	simm.s32 @!p1 $0x1082;
	[sflag:s4] =	ssyncset.s32 $0xFFFFF086  }
0x25: {  	[simem:s6], [sflag:s4] =	dma.local [hbm:s3], $0xF7A  }
0x26: {  	[smem:$0x3F9E] =	sst s1;
	(tag) =	ssettag s2;
	_ =	strace s9  }
0x27: {  	s1 =	sld [smem:$0x3FAE]  }
0x28: {  	s2 =	sld [smem:$0x3FAF]  }
0x29: {  	s4 =	sld [smem:$0x3FB1]  }
0x2a: {  	p0 =	seq.s32 s5, $0x0;
	s5 =	sld [smem:$0x3FB2]  }
0x2b: {  	s6 =	sld [smem:$0x3FB3]  }
0x2c: {  	s7 =	sld [smem:$0x3FB4]  }
0x2d: {  	s3 =	simm.s32 $0x108;
	s8 =	sld [smem:$0x3FB5]  }
0x2e: {  	s3 =	simm.s32 @!p0 $0x1082;
	s9 =	sld [smem:$0x3FB6]  }
0x2f: {  	lr =	sadd.s32 s0, s3;
	s0 =	sld [smem:$0x3FAD]  }
0x30: {  	s3 =	sld [smem:$0x3FB0]  }
0x31: {  	[smem:$0x3FB9] =	sst s10  }
0x32: {  	s10 =	sld [smem:$0x3FB7];
	_ =	sdelay $0x3  }
0x33: {  	p0 =	seq.s32 s10, $0x1;
	s10 =	sld [smem:$0x3FB9];
	_ =	sdelay $0x3  }
0x34: {  	[smem:$0x3FB9] =	sst s10  }
0x35: {  	s10 =	sld [smem:$0x3FB8];
	_ =	sdelay $0x3  }
0x36: {  	p1 =	seq.s32 s10, $0x1;
	s10 =	sld [smem:$0x3FB9];
	_ =	sdelay $0x3  }
0x37: {  	[smem:$0x3FB9] =	sst s10  }
0x38: {  	s10 =	sld [smem:$0x3FBA]  }
0x39: {  	_ = 	snop;
	(pc) =	sbr.ind lr, $3  }
0x3a: {  	_ = 	snop  }
0x3b: {  	_ = 	snop  }
0x3c: {  	p2 =	seq.s32 s10, $0x1;
	s10 =	sld [smem:$0x3FB9]  }
0x3d: {  	_ =	shalt  }
0x3e: {  	_ =	shalt  }
0x3f: {  	_ =	shalt  }
0x40: {  	_ =	shalt  }
0x41: {  	_ =	shalt  }
0x42: {  	_ =	shalt  }
0x43: {  	_ =	shalt  }
0x44: {  	_ =	shalt  }
0x45: {  	_ =	shalt  }
0x46: {  	_ =	shalt  }
0x47: {  	_ =	shalt  }
0x48: {  	_ =	shalt  }
0x49: {  	_ =	shalt  }
0x4a: {  	_ =	shalt  }
0x4b: {  	_ =	shalt  }
0x4c: {  	_ =	shalt  }
0x4d: {  	_ =	shalt  }
0x4e: {  	_ =	shalt  }
0x4f: {  	_ =	shalt  }
0x50: {  	_ =	shalt  }
0x51: {  	_ =	shalt  }
0x52: {  	_ =	shalt  }
0x53: {  	_ =	shalt  }
0x54: {  	_ =	shalt  }
0x55: {  	_ =	shalt  }
0x56: {  	_ =	shalt  }
0x57: {  	_ =	shalt  }
0x58: {  	_ =	shalt  }
0x59: {  	_ =	shalt  }
0x5a: {  	_ =	shalt  }
0x5b: {  	_ =	shalt  }
0x5c: {  	_ =	shalt  }
0x5d: {  	_ =	shalt  }
0x5e: {  	_ =	shalt  }
0x5f: {  	_ =	shalt  }
0x60: {  	_ =	shalt  }
0x61: {  	_ =	shalt  }
0x62: {  	_ =	shalt  }
0x63: {  	_ =	shalt  }
0x64: {  	_ =	shalt  }
0x65: {  	_ =	shalt  }
0x66: {  	_ =	shalt  }
0x67: {  	_ =	shalt  }
0x68: {  	_ =	shalt  }
0x69: {  	_ =	shalt  }
0x6a: {  	_ =	shalt  }
0x6b: {  	_ =	shalt  }
0x6c: {  	_ =	shalt  }
0x6d: {  	_ =	shalt  }
0x6e: {  	_ =	shalt  }
0x6f: {  	_ =	shalt  }
0x70: {  	_ =	shalt  }
0x71: {  	_ =	shalt  }
0x72: {  	_ =	shalt  }
0x73: {  	_ =	shalt  }
0x74: {  	_ =	shalt  }
0x75: {  	_ =	shalt  }
0x76: {  	_ =	shalt  }
0x77: {  	_ =	shalt  }
0x78: {  	_ =	shalt  }
0x79: {  	_ =	shalt  }
0x7a: {  	_ =	shalt  }
0x7b: {  	_ =	shalt  }
0x7c: {  	_ =	shalt  }
0x7d: {  	_ =	shalt  }
0x7e: {  	_ =	shalt  }
0x7f: {  	_ =	shalt  }
0x80: {  	_ =	shalt  }
0x81: {  	_ =	shalt  }
0x82: {  	_ =	shalt  }
0x83: {  	_ =	shalt  }
0x84: {  	_ =	shalt  }
0x85: {  	_ =	shalt  }
0x86: {  	_ =	shalt  }
0x87: {  	_ =	shalt  }
.Lfunc_end0:
.L_simem_size_0:
called_computation_lowered:
.L_overlay_start_0:
0x88: {  	s2 =	sld [smem:$0x3FD9]  }
0x89: {  	s3 =	sld [smem:$0x3FFE];
	_ =	sdelay $0x1  }
0x8a: {  	s1 =	srdreg.scid  }
0x8b: {  	s0 =	sand.u32 $0x1, s1  }
0x8c: {  	s17 =	sshll.u32 s0, $0xA;
	s2 =	sadd.s32 s3, s2  }
0x8d: {  	s2 =	sadd.s32 s2, s17  }
0x8e: {  	[smem:$0x3FC5] =	sst s2  }
0x8f: {  	_ = 	snop  }
0x90: {  	s2 =	sld [smem:$0x3FC9]  }
0x91: {  	s18 =	sld [smem:$0x3FC8]  }
0x92: {  	s4 =	sld [smem:$0x3FC7];
	(tm) =	ssettm $0x1  }
0x93: {  	s5 =	sld [smem:$0x3FFB];
	_ =	sdelay $0x3  }
0x94: {  	_ =	strace s5  }
0x95: {  	s5 =	sld [smem:$0x3FFC];
	_ =	sdelay $0x3  }
0x96: {  	_ =	strace s5  }
0x97: {  	s5 =	sld [smem:$0x3FFD];
	_ =	sdelay $0x3  }
0x98: {  	_ =	strace s5  }
0x99: {  	_ =	strace $0x8FFFFFFF  }
0x9a: {  	s19 =	sld [smem:$0x3FDB];
	_ =	sdelay $0x1  }
0x9b: {  	s6 =	simm.s32 $_scs_section_size  }
0x9c: {  	s7 =	simm.s32 $_size__tile_overlayer_lowered;
	s8 =	simm.s32 $_tile_overlayer_lowered  }
0x9d: {  	s22 =	simm.s32 $0x1BFF;
	s21 =	sshll.u32 s8, $0x1;
	s5 =	sadd.s32 s6, s19  }
0x9e: {  	s9 =	simm.s32 $0x0;
	s20 =	sshll.u32 s7, $0x1;
	s7 =	sadd.s32 s21, s5  }
0x9f: {  	[timem:s9], [sflag:s22] =	dma.local [hbm:s7], s20  }
0xa0: {  	_ =	swait.ge [sflag:s22], s20  }
0xa1: {  	s6 =	ssub.s32 $0x0, s20;
	[sflag:s22] =	ssyncset.done $0x0  }
0xa2: {  	[sflag:s22] =	ssyncadd.s32 s6;
	_ =	sdelay $0x1  }
0xa3: {  	s23 =	simm.s32 $0x1B8B  }
0xa4: {  	_ =	swait.ge [sflag:s23], $0x1  }
0xa5: {  	[sflag:s23] =	ssyncset.done $0x0  }
0xa6: {  	s25 =	simm.s32 $0x1B8E;
	s24 =	sld [smem:$0x3FFE];
	[sflag:s23] =	ssyncadd.s32 $0xFFFFFFFF  }
0xa7: {  	s26 =	simm.s32 $execute0_lowered;
	[smem:$0x3FD2] =	sst s25  }
0xa8: {  	s7 =	sshll.u32 s26, $0x1;
	_ =	strace $0x80000046;
	[dreg:$0x1] =	wrdreg $0xFFFFFFFF  }
0xa9: {  	s28 =	simm.s32 $_size_execute0_lowered;
	s5 =	sadd.s32 s5, s7;
	[dreg:$0x0] =	wrdreg $0x0  }
0xaa: {  	s7 =	sshll.u32 s28, $0x1;
	[dreg:$0x2] =	wrdreg s5  }
0xab: {  	[dreg:$0x3] =	wrdreg s7  }
0xac: {  	[dreg:$0x4] =	wrdreg $0xC0  }
0xad: {  	_ =	task [dreg:s9], $0x5FFFF  }
0xae: {  	[dreg:$0x1] =	wrdreg $0xFFFFFFFF  }
0xaf: {  	[dreg:$0x0] =	wrdreg $0x60  }
0xb0: {  	[dreg:$0x2] =	wrdreg s2  }
0xb1: {  	[dreg:$0x3] =	wrdreg s18  }
0xb2: {  	[dreg:$0x4] =	wrdreg s4  }
0xb3: {  	[dreg:$0x5] =	wrdreg s24  }
0xb4: {  	[dreg:$0x6] =	wrdreg $0x9  }
0xb5: {  	_ =	task.clear_ibuf [dreg:s9], $0x7FFFF;
	_ =	strace $0x90000046  }
0xb6: {  	s29 =	simm.s32 $0x9;
	_ =	strace $0x80000048  }
0xb7: {  	_ =	swait.ge [sflag:s29], $0x1  }
0xb8: {  	[sflag:s29] =	ssyncadd.s32 $0xFFFFFFFF  }
0xb9: {  	_ =	strace $0x90000048  }
0xba: {  	_ =	sfence  }
0xbb: {  	s30 =	sld [smem:$0x0];
	_ =	sdelay $0x2  }
0xbc: {  	s31 =	sshll.u32 s1, $0xD;
	s1 =	sshrl.u32 s1, $0x2  }
0xbd: {  	s3 =	sand.u32 $0x4000, s31;
	s1 =	sadd.s32 s1, s30  }
0xbe: {  	s0 =	sor.u32 s3, s0;
	s1 =	sshll.u32 s1, $0x11  }
0xbf: {  	s0 =	sor.u32 s1, s0  }
0xc0: {  	s0 =	sadd.s32 $0x8F2B, s0  }
0xc1: {  	[sflag:s0] =	ssyncadd.remote.s32 $0x1  }
0xc2: {  	_ =	sfence.sel $0xFFFF  }
0xc3: {  	[dreg:$0x0] =	wrdreg $0xFFFFFFFF;
	(pc) =	sbr.abs _section_cstart, $3  }
0xc4: {  	[dreg:$0x1] =	wrdreg $0xFFFFFFFF  }
0xc5: {  	_ =	task.clear_ibuf [dreg:s9], $0x2FFFF;
	_ =	strace $0x9FFFFFFF  }
0xc6: {  	(tm) =	ssettm $0x7FFFFFFF  }
0xc7: {  	_ =	shalt  }
tec
execute0_lowered:
.L_overlay_start_1:
0x0: {  	(tag) =	ssettag $0x1  }
0x1: {  	s10 =	rddreg [dreg:$0x0]  }
0x2: {  	s2 =	rddreg [dreg:$0x1]  }
0x3: {  	s9 =	rddreg [dreg:$0x2]  }
0x4: {  	s14 =	rddreg [dreg:$0x3]  }
0x5: {  	s3 =	srdreg.scid;
	s1 =	stileid.u32  }
0x6: {  	s0 =	rddreg [dreg:$0x4];
	s21 =	simm.s32 $0x1;
	s22 =	simm.s32 $0x1D700  }
0x7: {  	s23 =	simm.s32 $0x2;
	s24 =	simm.s32 $0x3;
	s25 =	simm.s32 $0x1E700  }
0x8: {  	s4 =	sand.u32 $0x1, s3;
	s5 =	sshll.u32 s1, $0x1;
	s3 =	simm.s32 $0x0  }
0x9: {  	s26 =	sshrl.u32 s1, $0x1;
	s29 =	sadd.s32 $0x1000, s10;
	s17 =	sadd.s32 $0x2000, s10  }
0xa: {  	s19 =	sadd.s32 $0x3000, s10;
	s12 =	sor.u32 s4, s5;
	[smem:$0x7FF] =	sst s3  }
0xb: {  	s8 =	smul.u32 $0xC3800, s26;
	s11 =	sshll.u32 s26, $0x11;
	s4 =	ssub.s32 $0x2, s4  }
0xc: {  	s26 =	simm.s32 $0x0;
	s6 =	sshll.u32 s12, $0x8;
	_ =	strace $0x80000047  }
0xd: {  	s13 =	sshrl.u32 s4, $0x1;
	s31 =	sshll.u32 s12, $0x4;
	s6 =	sand.u32 $0x300, s6  }
0xe: {  	s16 =	ssub.s32 s4, s13;
	s14 =	sadd.s32 s14, s31;
	s28 =	sor.u32 s8, s6  }
0xf: {  	s7 =	sor.u32 s11, s6;
	s18 =	sor.u32 $0x80, s6;
	s5 =	sshrl.u32 s28, $0x3  }
0x10: {  	s15 =	sshrl.u32 s7, $0x3;
	s8 =	sor.u32 s8, s18;
	s11 =	sor.u32 s11, s18  }
0x11: {  	s18 =	simm.s32 $0x18700;
	s4 =	sadd.s32 s9, s5;
	s5 =	sadd.s32 s10, s15  }
0x12: {  	s6 =	sadd.s32 s15, s29;
	s7 =	sadd.s32 s15, s17;
	s20 =	sshrl.u32 s8, $0x3  }
0x13: {  	s8 =	sadd.s32 s15, s19;
	s30 =	sshrl.u32 s11, $0x3;
	s15 =	smax.u32 s16, $0x1  }
0x14: {  	s16 =	simm.s32 $0x80;
	s9 =	sadd.s32 s9, s20;
	s10 =	sadd.s32 s10, s30  }
0x15: {  	s11 =	sadd.s32 s30, s29;
	s12 =	sadd.s32 s30, s17;
	s13 =	sadd.s32 s30, s19  }
0x16: {  	s17 =	simm.s32 $0x400;
	s19 =	simm.s32 $0x4;
	s20 =	simm.s32 $0x1C700  }
.LBB2_1:
0x17: {  	[tilespmem:s3], [sflag:$0x1] =	stream.strided.gather [hbm4b:s4+s16], $0x18700, s17, s16, $0x38;
	[tilespmem:$0x1E780] =	vst v63  }
0x18: {  	_ = 	snop  }
0x19: {  	[tilespmem:s18], [sflag:$0x4] =	stream.linear.gather [hbm4b:s2+s3], $0x4000, $0x38;
	[tilespmem:$0x1E780] =	vst v63  }
0x1a: {  	_ =	swait.ge [sflag:s19], $0x4000  }
0x1b: {  	[sflag:s19] =	ssyncset.done $0x0  }
0x1c: {  	[sflag:s19] =	ssyncadd.s32 $0xFFFFC000  }
0x1d: {  	[tilespmem:s20], [sflag:$0x2] =	stream.strided.gather [hbm4b:s5+s16], $0x1000, s17, s16, $0x38;
	[tilespmem:$0x1E780] =	vst v63  }
0x1e: {  	_ =	swait.ge [sflag:s21], $0x18700  }
0x1f: {  	[sflag:s21] =	ssyncset.done $0x0  }
0x20: {  	[sflag:s21] =	ssyncadd.s32 $0xFFFE7900  }
0x21: {  	[tilespmem:s22], [sflag:$0x3] =	stream.strided.gather [hbm4b:s6+s16], $0x1000, s17, s16, $0x38;
	[tilespmem:$0x1E780] =	vst v63  }
0x22: {  	_ =	swait.ge [sflag:s23], $0x1000  }
0x23: {  	[sflag:s23] =	ssyncset.done $0x0  }
0x24: {  	s28 =	simm.s32 $0x0;
	[sflag:s23] =	ssyncadd.s32 $0xFFFFF000  }
0x25: {  	v4 =	vld [tilespmem:s28+$0x1C740]  }
0x26: {  	v2 =	vld [tilespmem:s28+$0x1C750]  }
0x27: {  	v10 =	vld [tilespmem:s28+$0x1C760]  }
0x28: {  	v5 =	vld [tilespmem:s28+$0x1C700]  }
0x29: {  	v6 =	vld [tilespmem:s28+$0x1C710]  }
0x2a: {  	v11 =	vld [tilespmem:s28+$0x1C720]  }
0x2b: {  	v12 =	vld [tilespmem:s28+$0x1C730]  }
0x2c: {  	v0 =	vld [tilespmem:s28+$0x18740]  }
0x2d: {  	v1 =	vld [tilespmem:s28+$0x18750]  }
0x2e: {  	v13 =	vld [tilespmem:s28+$0x18700]  }
0x2f: {  	v8 =	vimm.f32 $0.0e+00;
	v14 =	vld [tilespmem:s28+$0x18710]  }
0x30: {  	s29 =	simm.s32 $0x200;
	v9 =	vimm.f32 $0.0e+00;
	v3 =	vimm.f32 $0.0e+00;
	v7 =	vimm.f32 $0.0e+00;
	v15 =	vld [tilespmem:s28+$0x18720]  }
.LBB2_2:
0x31: {  	p0 =	sne.s32 s29, $0x3E00;
	v16 =	vld [tilespmem:s28+$0x18730]  }
0x32: {  	v17 =	vld [tilespmem:s28+$0x18760]  }
0x33: {  	v18 =	vld [tilespmem:s28+$0x18770]  }
0x34: {  	v0 =	vld.idx.msk [tilespmem:v0+s3+$0x0], $0xffff  }
0x35: {  	v1 =	vld.idx.msk [tilespmem:v1+s3+$0x0], $0xffff  }
0x36: {  	v13 =	vld.idx.msk [tilespmem:v13+s3+$0x0], $0xffff  }
0x37: {  	v14 =	vld.idx.msk [tilespmem:v14+s3+$0x0], $0xffff  }
0x38: {  	v15 =	vld.idx.msk [tilespmem:v15+s3+$0x0], $0xffff  }
0x39: {  	v16 =	vld.idx.msk [tilespmem:v16+s3+$0x0], $0xffff  }
0x3a: {  	v17 =	vld.idx.msk [tilespmem:v17+s3+$0x0], $0xffff  }
0x3b: {  	v18 =	vld.idx.msk [tilespmem:v18+s3+$0x0], $0xffff  }
0x3c: {  	v0 =	vsub.f32 v4, v0;
	v19 =	vld [tilespmem:s28+$0x1C770];
	s28 =	sshra.s32 s29, $0x2  }
0x3d: {  	v1 =	vsub.f32 v2, v1;
	v13 =	vsub.f32 v5, v13;
	v4 =	vld [tilespmem:s28+$0x1C740]  }
0x3e: {  	v6 =	vsub.f32 v6, v14;
	v11 =	vsub.f32 v11, v15;
	v2 =	vld [tilespmem:s28+$0x1C750]  }
0x3f: {  	v1 =	vmul.f32 v1, v1;
	v15 =	vmul.f32 v0, v0;
	v12 =	vsub.f32 v12, v16;
	v14 =	vld [tilespmem:s28+$0x1C760]  }
0x40: {  	v0 =	vmul.f32 v13, v13;
	v13 =	vmul.f32 v6, v6;
	v10 =	vsub.f32 v10, v17;
	v5 =	vld [tilespmem:s28+$0x1C700]  }
0x41: {  	v16 =	vmul.f32 v11, v11;
	v17 =	vmul.f32 v12, v12;
	v6 =	vld [tilespmem:s28+$0x1C710];
	v18 =	vsub.f32 v19, v18  }
0x42: {  	v8 =	vadd.f32 v0, v8;
	v9 =	vadd.f32 v13, v9;
	v13 =	vmul.f32 v10, v10;
	v11 =	vld [tilespmem:s28+$0x1C720]  }
0x43: {  	v3 =	vadd.f32 v16, v3;
	v7 =	vadd.f32 v17, v7;
	v12 =	vld [tilespmem:s28+$0x1C730];
	v16 =	vmul.f32 v18, v18  }
.Ltmp0:
0x44: {  	v8 =	vadd.f32 v15, v8;
	v9 =	vadd.f32 v1, v9;
	v0 =	vld [tilespmem:s28+$0x18740];
	v10 =	vmov v14;
	(pc) =	sbr.rel @p0 .LBB2_2-.Ltmp0, $4  }
0x45: {  	v3 =	vadd.f32 v13, v3;
	v1 =	vld [tilespmem:s28+$0x18750];
	v7 =	vadd.f32 v16, v7  }
0x46: {  	v13 =	vld [tilespmem:s28+$0x18700]  }
0x47: {  	v14 =	vld [tilespmem:s28+$0x18710]  }
0x48: {  	s29 =	sadd.s32 $0x200, s29;
	v15 =	vld [tilespmem:s28+$0x18720]  }
0x49: {  	_ = 	snop  }
0x4a: {  	v16 =	vld [tilespmem:s28+$0x18730]  }
0x4b: {  	v17 =	vld [tilespmem:s28+$0x18760]  }
0x4c: {  	v18 =	vld [tilespmem:s28+$0x18770]  }
0x4d: {  	v19 =	vld.idx.msk [tilespmem:v0+s3+$0x0], $0xffff  }
0x4e: {  	v21 =	vld [tilespmem:s28+$0x1C770]  }
0x4f: {  	v20 =	vld.idx.msk [tilespmem:v1+s3+$0x0], $0xffff  }
0x50: {  	v13 =	vld.idx.msk [tilespmem:v13+s3+$0x0], $0xffff  }
0x51: {  	v14 =	vld.idx.msk [tilespmem:v14+s3+$0x0], $0xffff  }
0x52: {  	v15 =	vld.idx.msk [tilespmem:v15+s3+$0x0], $0xffff  }
0x53: {  	v16 =	vld.idx.msk [tilespmem:v16+s3+$0x0], $0xffff  }
0x54: {  	v17 =	vld.idx.msk [tilespmem:v17+s3+$0x0], $0xffff  }
0x55: {  	v18 =	vld.idx.msk [tilespmem:v18+s3+$0x0], $0xffff;
	[tilespmem:s20], [sflag:$0x2] =	stream.strided.gather [hbm4b:s7+s16], $0x1000, s17, s16, $0x38  }
0x56: {  	_ =	swait.ge [sflag:s24], $0x1000  }
0x57: {  	[sflag:s24] =	ssyncset.done $0x0  }
0x58: {  	s28 =	simm.s32 $0x40;
	[sflag:s24] =	ssyncadd.s32 $0xFFFFF000  }
0x59: {  	v1 =	vld [tilespmem:s28+$0x1D700]  }
0x5a: {  	v0 =	vld [tilespmem:s28+$0x1D710]  }
0x5b: {  	v19 =	vsub.f32 v4, v19;
	v13 =	vsub.f32 v5, v13;
	v4 =	vld [tilespmem:s28+$0x1D720]  }
0x5c: {  	v11 =	vsub.f32 v11, v15;
	v5 =	vld [tilespmem:s28+$0x1D6C0]  }
0x5d: {  	v20 =	vsub.f32 v2, v20;
	v2 =	vsub.f32 v6, v14;
	v15 =	vmul.f32 v13, v13;
	v6 =	vld [tilespmem:s28+$0x1D6D0]  }
0x5e: {  	v11 =	vmul.f32 v11, v11;
	v13 =	vld [tilespmem:s28+$0x1D6F0];
	v14 =	vsub.f32 v12, v16  }
0x5f: {  	v8 =	vadd.f32 v15, v8;
	v10 =	vsub.f32 v10, v17;
	v12 =	vld [tilespmem:s28+$0x1D6E0];
	v17 =	vmul.f32 v2, v2  }
0x60: {  	v15 =	vmul.f32 v20, v20;
	v18 =	vsub.f32 v21, v18;
	v2 =	vld [tilespmem:s28+$0x19700];
	v62 =	vmul.f32 v14, v14  }
0x61: {  	v16 =	vmul.f32 v19, v19;
	v63 =	vadd.f32 v11, v3;
	v9 =	vadd.f32 v17, v9;
	v14 =	vld [tilespmem:s28+$0x19710]  }
0x62: {  	v3 =	vld [tilespmem:s28+$0x196C0];
	v17 =	vmul.f32 v10, v10;
	v18 =	vmul.f32 v18, v18;
	v19 =	vadd.f32 v62, v7  }
0x63: {  	v11 =	vadd.f32 v16, v8;
	v10 =	vadd.f32 v15, v9;
	v7 =	vld [tilespmem:s28+$0x196D0]  }
0x64: {  	s29 =	simm.s32 $0x300;
	v8 =	vadd.f32 v17, v63;
	v15 =	vld [tilespmem:s28+$0x196E0];
	v9 =	vadd.f32 v18, v19  }
.LBB2_4:
0x65: {  	p0 =	sne.s32 s29, $0x3F00;
	v16 =	vld [tilespmem:s28+$0x196F0]  }
0x66: {  	v17 =	vld [tilespmem:s28+$0x19720]  }
0x67: {  	v18 =	vld [tilespmem:s28+$0x19730]  }
0x68: {  	v2 =	vld.idx.msk [tilespmem:v2+s3+$0x0], $0xffff  }
0x69: {  	v14 =	vld.idx.msk [tilespmem:v14+s3+$0x0], $0xffff  }
0x6a: {  	v3 =	vld.idx.msk [tilespmem:v3+s3+$0x0], $0xffff  }
0x6b: {  	v7 =	vld.idx.msk [tilespmem:v7+s3+$0x0], $0xffff  }
0x6c: {  	v15 =	vld.idx.msk [tilespmem:v15+s3+$0x0], $0xffff  }
0x6d: {  	v16 =	vld.idx.msk [tilespmem:v16+s3+$0x0], $0xffff  }
0x6e: {  	v17 =	vld.idx.msk [tilespmem:v17+s3+$0x0], $0xffff  }
0x6f: {  	v18 =	vld.idx.msk [tilespmem:v18+s3+$0x0], $0xffff  }
0x70: {  	v2 =	vsub.f32 v1, v2;
	v19 =	vld [tilespmem:s28+$0x1D730];
	s28 =	sshra.s32 s29, $0x2  }
0x71: {  	v3 =	vsub.f32 v5, v3;
	v5 =	vsub.f32 v0, v14;
	v1 =	vld [tilespmem:s28+$0x1D700]  }
0x72: {  	v6 =	vsub.f32 v6, v7;
	v7 =	vsub.f32 v12, v15;
	v0 =	vld [tilespmem:s28+$0x1D710]  }
0x73: {  	v15 =	vmul.f32 v2, v2;
	v12 =	vsub.f32 v13, v16;
	v16 =	vmul.f32 v5, v5;
	v14 =	vld [tilespmem:s28+$0x1D720]  }
0x74: {  	v2 =	vmul.f32 v3, v3;
	v3 =	vmul.f32 v6, v6;
	v4 =	vsub.f32 v4, v17;
	v5 =	vld [tilespmem:s28+$0x1D6C0]  }
0x75: {  	v7 =	vmul.f32 v7, v7;
	v17 =	vmul.f32 v12, v12;
	v6 =	vld [tilespmem:s28+$0x1D6D0];
	v18 =	vsub.f32 v19, v18  }
0x76: {  	v11 =	vadd.f32 v2, v11;
	v3 =	vadd.f32 v3, v10;
	v19 =	vmul.f32 v4, v4;
	v12 =	vld [tilespmem:s28+$0x1D6E0]  }
0x77: {  	v7 =	vadd.f32 v7, v8;
	v9 =	vadd.f32 v17, v9;
	v13 =	vld [tilespmem:s28+$0x1D6F0];
	v17 =	vmul.f32 v18, v18  }
.Ltmp1:
0x78: {  	v11 =	vadd.f32 v15, v11;
	v10 =	vadd.f32 v16, v3;
	v2 =	vld [tilespmem:s28+$0x19700];
	v4 =	vmov v14;
	(pc) =	sbr.rel @p0 .LBB2_4-.Ltmp1, $4  }
0x79: {  	v8 =	vadd.f32 v19, v7;
	v14 =	vld [tilespmem:s28+$0x19710];
	v9 =	vadd.f32 v17, v9  }
0x7a: {  	v3 =	vld [tilespmem:s28+$0x196C0]  }
0x7b: {  	v7 =	vld [tilespmem:s28+$0x196D0]  }
0x7c: {  	s29 =	sadd.s32 $0x200, s29;
	v15 =	vld [tilespmem:s28+$0x196E0]  }
0x7d: {  	_ = 	snop  }
0x7e: {  	v16 =	vld [tilespmem:s28+$0x196F0]  }
0x7f: {  	v17 =	vld [tilespmem:s28+$0x19720]  }
0x80: {  	v18 =	vld [tilespmem:s28+$0x19730]  }
0x81: {  	v19 =	vld.idx.msk [tilespmem:v2+s3+$0x0], $0xffff  }
0x82: {  	v22 =	vld [tilespmem:s28+$0x1D730]  }
0x83: {  	v14 =	vld.idx.msk [tilespmem:v14+s3+$0x0], $0xffff  }
0x84: {  	v20 =	vld.idx.msk [tilespmem:v3+s3+$0x0], $0xffff  }
0x85: {  	v21 =	vld.idx.msk [tilespmem:v7+s3+$0x0], $0xffff  }
0x86: {  	v15 =	vld.idx.msk [tilespmem:v15+s3+$0x0], $0xffff  }
0x87: {  	v16 =	vld.idx.msk [tilespmem:v16+s3+$0x0], $0xffff  }
0x88: {  	v17 =	vld.idx.msk [tilespmem:v17+s3+$0x0], $0xffff  }
0x89: {  	v18 =	vld.idx.msk [tilespmem:v18+s3+$0x0], $0xffff;
	[tilespmem:s22], [sflag:$0x3] =	stream.strided.gather [hbm4b:s8+s16], $0x1000, s17, s16, $0x38  }
0x8a: {  	_ =	swait.ge [sflag:s23], $0x1000  }
0x8b: {  	[sflag:s23] =	ssyncset.done $0x0  }
0x8c: {  	s28 =	simm.s32 $0x0;
	[sflag:s23] =	ssyncadd.s32 $0xFFFFF000  }
0x8d: {  	v3 =	vld [tilespmem:s28+$0x1C740]  }
0x8e: {  	v2 =	vld [tilespmem:s28+$0x1C750]  }
0x8f: {  	v1 =	vsub.f32 v1, v19;
	v7 =	vld [tilespmem:s28+$0x1C760]  }
0x90: {  	v61 =	vsub.f32 v5, v20;
	v15 =	vsub.f32 v12, v15;
	v5 =	vld [tilespmem:s28+$0x1C700]  }
0x91: {  	v62 =	vsub.f32 v0, v14;
	v0 =	vsub.f32 v6, v21;
	v6 =	vld [tilespmem:s28+$0x1C710]  }
0x92: {  	v15 =	vmul.f32 v15, v15;
	v12 =	vld [tilespmem:s28+$0x1C720];
	v13 =	vsub.f32 v13, v16;
	v16 =	vmul.f32 v61, v61  }
0x93: {  	v14 =	vld [tilespmem:s28+$0x1C730];
	v4 =	vsub.f32 v4, v17;
	v17 =	vmul.f32 v1, v1;
	v1 =	vmul.f32 v0, v0  }
0x94: {  	v18 =	vsub.f32 v22, v18;
	v0 =	vld [tilespmem:s28+$0x1A740];
	v8 =	vadd.f32 v15, v8;
	v13 =	vmul.f32 v13, v13  }
0x95: {  	v11 =	vadd.f32 v16, v11;
	v16 =	vmul.f32 v62, v62;
	v10 =	vadd.f32 v1, v10;
	v1 =	vld [tilespmem:s28+$0x1A750]  }
0x96: {  	v63 =	vmul.f32 v4, v4;
	v15 =	vmul.f32 v18, v18;
	v4 =	vld [tilespmem:s28+$0x1A700];
	v9 =	vadd.f32 v13, v9  }
0x97: {  	v13 =	vadd.f32 v17, v11;
	v10 =	vadd.f32 v16, v10;
	v11 =	vld [tilespmem:s28+$0x1A710]  }
0x98: {  	s29 =	simm.s32 $0x200;
	v8 =	vadd.f32 v63, v8;
	v9 =	vadd.f32 v15, v9;
	v15 =	vld [tilespmem:s28+$0x1A720]  }
.LBB2_6:
0x99: {  	p0 =	sne.s32 s29, $0x3E00;
	v16 =	vld [tilespmem:s28+$0x1A730]  }
0x9a: {  	v17 =	vld [tilespmem:s28+$0x1A760]  }
0x9b: {  	v18 =	vld [tilespmem:s28+$0x1A770]  }
0x9c: {  	v0 =	vld.idx.msk [tilespmem:v0+s3+$0x0], $0xffff  }
0x9d: {  	v1 =	vld.idx.msk [tilespmem:v1+s3+$0x0], $0xffff  }
0x9e: {  	v4 =	vld.idx.msk [tilespmem:v4+s3+$0x0], $0xffff  }
0x9f: {  	v11 =	vld.idx.msk [tilespmem:v11+s3+$0x0], $0xffff  }
0xa0: {  	v15 =	vld.idx.msk [tilespmem:v15+s3+$0x0], $0xffff  }
0xa1: {  	v16 =	vld.idx.msk [tilespmem:v16+s3+$0x0], $0xffff  }
0xa2: {  	v17 =	vld.idx.msk [tilespmem:v17+s3+$0x0], $0xffff  }
0xa3: {  	v18 =	vld.idx.msk [tilespmem:v18+s3+$0x0], $0xffff  }
0xa4: {  	v0 =	vsub.f32 v3, v0;
	v19 =	vld [tilespmem:s28+$0x1C770];
	s28 =	sshra.s32 s29, $0x2  }
0xa5: {  	v1 =	vsub.f32 v2, v1;
	v4 =	vsub.f32 v5, v4;
	v3 =	vld [tilespmem:s28+$0x1C740]  }
0xa6: {  	v6 =	vsub.f32 v6, v11;
	v11 =	vsub.f32 v12, v15;
	v2 =	vld [tilespmem:s28+$0x1C750]  }
0xa7: {  	v1 =	vmul.f32 v1, v1;
	v12 =	vsub.f32 v14, v16;
	v16 =	vmul.f32 v0, v0;
	v15 =	vld [tilespmem:s28+$0x1C760]  }
0xa8: {  	v0 =	vmul.f32 v4, v4;
	v4 =	vmul.f32 v6, v6;
	v7 =	vsub.f32 v7, v17;
	v5 =	vld [tilespmem:s28+$0x1C700]  }
0xa9: {  	v11 =	vmul.f32 v11, v11;
	v17 =	vmul.f32 v12, v12;
	v6 =	vld [tilespmem:s28+$0x1C710];
	v18 =	vsub.f32 v19, v18  }
0xaa: {  	v13 =	vadd.f32 v0, v13;
	v4 =	vadd.f32 v4, v10;
	v19 =	vmul.f32 v7, v7;
	v12 =	vld [tilespmem:s28+$0x1C720]  }
0xab: {  	v8 =	vadd.f32 v11, v8;
	v9 =	vadd.f32 v17, v9;
	v14 =	vld [tilespmem:s28+$0x1C730];
	v11 =	vmul.f32 v18, v18  }
.Ltmp2:
0xac: {  	v13 =	vadd.f32 v16, v13;
	v10 =	vadd.f32 v1, v4;
	v0 =	vld [tilespmem:s28+$0x1A740];
	v7 =	vmov v15;
	(pc) =	sbr.rel @p0 .LBB2_6-.Ltmp2, $4  }
0xad: {  	v8 =	vadd.f32 v19, v8;
	v1 =	vld [tilespmem:s28+$0x1A750];
	v9 =	vadd.f32 v11, v9  }
0xae: {  	v4 =	vld [tilespmem:s28+$0x1A700]  }
0xaf: {  	v11 =	vld [tilespmem:s28+$0x1A710]  }
0xb0: {  	s29 =	sadd.s32 $0x200, s29;
	v15 =	vld [tilespmem:s28+$0x1A720]  }
0xb1: {  	_ = 	snop  }
0xb2: {  	v16 =	vld [tilespmem:s28+$0x1A730]  }
0xb3: {  	v17 =	vld [tilespmem:s28+$0x1A760]  }
0xb4: {  	v18 =	vld [tilespmem:s28+$0x1A770]  }
0xb5: {  	v19 =	vld.idx.msk [tilespmem:v0+s3+$0x0], $0xffff  }
0xb6: {  	v22 =	vld [tilespmem:s28+$0x1C770]  }
0xb7: {  	v20 =	vld.idx.msk [tilespmem:v1+s3+$0x0], $0xffff  }
0xb8: {  	v21 =	vld.idx.msk [tilespmem:v4+s3+$0x0], $0xffff  }
0xb9: {  	v11 =	vld.idx.msk [tilespmem:v11+s3+$0x0], $0xffff  }
0xba: {  	v15 =	vld.idx.msk [tilespmem:v15+s3+$0x0], $0xffff  }
0xbb: {  	v16 =	vld.idx.msk [tilespmem:v16+s3+$0x0], $0xffff  }
0xbc: {  	v17 =	vld.idx.msk [tilespmem:v17+s3+$0x0], $0xffff  }
0xbd: {  	v18 =	vld.idx.msk [tilespmem:v18+s3+$0x0], $0xffff;
	_ =	swait.ge [sflag:s24], $0x1000  }
0xbe: {  	[sflag:s24] =	ssyncset.done $0x0  }
0xbf: {  	s28 =	simm.s32 $0x0;
	[sflag:s24] =	ssyncadd.s32 $0xFFFFF000  }
0xc0: {  	v1 =	vld [tilespmem:s28+$0x1D740]  }
0xc1: {  	v0 =	vld [tilespmem:s28+$0x1D750]  }
0xc2: {  	v3 =	vsub.f32 v3, v19;
	v4 =	vld [tilespmem:s28+$0x1D760]  }
0xc3: {  	v61 =	vsub.f32 v5, v21;
	v15 =	vsub.f32 v12, v15;
	v5 =	vld [tilespmem:s28+$0x1D700]  }
0xc4: {  	v20 =	vsub.f32 v2, v20;
	v2 =	vsub.f32 v6, v11;
	v6 =	vld [tilespmem:s28+$0x1D710]  }
0xc5: {  	v11 =	vld [tilespmem:s28+$0x1D720];
	v15 =	vmul.f32 v15, v15;
	v14 =	vsub.f32 v14, v16;
	v16 =	vmul.f32 v61, v61  }
0xc6: {  	v12 =	vld [tilespmem:s28+$0x1D730];
	v7 =	vsub.f32 v7, v17;
	v17 =	vmul.f32 v3, v3;
	v3 =	vmul.f32 v2, v2  }
0xc7: {  	v18 =	vsub.f32 v22, v18;
	v2 =	vld [tilespmem:s28+$0x1B740];
	v8 =	vadd.f32 v15, v8;
	v14 =	vmul.f32 v14, v14  }
0xc8: {  	v62 =	vmul.f32 v20, v20;
	v16 =	vadd.f32 v16, v13;
	v63 =	vadd.f32 v3, v10;
	v3 =	vld [tilespmem:s28+$0x1B750]  }
0xc9: {  	v7 =	vmul.f32 v7, v7;
	v18 =	vmul.f32 v18, v18;
	v13 =	vld [tilespmem:s28+$0x1B700];
	v15 =	vadd.f32 v14, v9  }
0xca: {  	v10 =	vadd.f32 v17, v16;
	v9 =	vadd.f32 v62, v63;
	v14 =	vld [tilespmem:s28+$0x1B710]  }
0xcb: {  	s29 =	simm.s32 $0x200;
	v7 =	vadd.f32 v7, v8;
	v8 =	vadd.f32 v18, v15;
	v15 =	vld [tilespmem:s28+$0x1B720]  }
.LBB2_8:
0xcc: {  	p0 =	sne.s32 s29, $0x3E00;
	v16 =	vld [tilespmem:s28+$0x1B730]  }
0xcd: {  	v17 =	vld [tilespmem:s28+$0x1B760]  }
0xce: {  	v18 =	vld [tilespmem:s28+$0x1B770]  }
0xcf: {  	v2 =	vld.idx.msk [tilespmem:v2+s3+$0x0], $0xffff  }
0xd0: {  	v3 =	vld.idx.msk [tilespmem:v3+s3+$0x0], $0xffff  }
0xd1: {  	v13 =	vld.idx.msk [tilespmem:v13+s3+$0x0], $0xffff  }
0xd2: {  	v14 =	vld.idx.msk [tilespmem:v14+s3+$0x0], $0xffff  }
0xd3: {  	v15 =	vld.idx.msk [tilespmem:v15+s3+$0x0], $0xffff  }
0xd4: {  	v16 =	vld.idx.msk [tilespmem:v16+s3+$0x0], $0xffff  }
0xd5: {  	v17 =	vld.idx.msk [tilespmem:v17+s3+$0x0], $0xffff  }
0xd6: {  	v18 =	vld.idx.msk [tilespmem:v18+s3+$0x0], $0xffff  }
0xd7: {  	v2 =	vsub.f32 v1, v2;
	v19 =	vld [tilespmem:s28+$0x1D770];
	s28 =	sshra.s32 s29, $0x2  }
0xd8: {  	v3 =	vsub.f32 v0, v3;
	v13 =	vsub.f32 v5, v13;
	v1 =	vld [tilespmem:s28+$0x1D740]  }
0xd9: {  	v6 =	vsub.f32 v6, v14;
	v11 =	vsub.f32 v11, v15;
	v0 =	vld [tilespmem:s28+$0x1D750]  }
0xda: {  	v3 =	vmul.f32 v3, v3;
	v15 =	vmul.f32 v2, v2;
	v12 =	vsub.f32 v12, v16;
	v14 =	vld [tilespmem:s28+$0x1D760]  }
0xdb: {  	v2 =	vmul.f32 v13, v13;
	v13 =	vmul.f32 v6, v6;
	v4 =	vsub.f32 v4, v17;
	v5 =	vld [tilespmem:s28+$0x1D700]  }
0xdc: {  	v16 =	vmul.f32 v11, v11;
	v17 =	vmul.f32 v12, v12;
	v6 =	vld [tilespmem:s28+$0x1D710];
	v18 =	vsub.f32 v19, v18  }
0xdd: {  	v10 =	vadd.f32 v2, v10;
	v9 =	vadd.f32 v13, v9;
	v13 =	vmul.f32 v4, v4;
	v11 =	vld [tilespmem:s28+$0x1D720]  }
0xde: {  	v7 =	vadd.f32 v16, v7;
	v8 =	vadd.f32 v17, v8;
	v12 =	vld [tilespmem:s28+$0x1D730];
	v16 =	vmul.f32 v18, v18  }
.Ltmp3:
0xdf: {  	v10 =	vadd.f32 v15, v10;
	v9 =	vadd.f32 v3, v9;
	v2 =	vld [tilespmem:s28+$0x1B740];
	v4 =	vmov v14;
	(pc) =	sbr.rel @p0 .LBB2_8-.Ltmp3, $4  }
0xe0: {  	v7 =	vadd.f32 v13, v7;
	v3 =	vld [tilespmem:s28+$0x1B750];
	v8 =	vadd.f32 v16, v8  }
0xe1: {  	v13 =	vld [tilespmem:s28+$0x1B700]  }
0xe2: {  	v14 =	vld [tilespmem:s28+$0x1B710]  }
0xe3: {  	s29 =	sadd.s32 $0x200, s29;
	v15 =	vld [tilespmem:s28+$0x1B720]  }
0xe4: {  	_ = 	snop  }
0xe5: {  	v16 =	vld [tilespmem:s28+$0x1B730]  }
0xe6: {  	v17 =	vld [tilespmem:s28+$0x1B760]  }
0xe7: {  	v18 =	vld [tilespmem:s28+$0x1B770]  }
0xe8: {  	v19 =	vld.idx.msk [tilespmem:v2+s3+$0x0], $0xffff  }
0xe9: {  	v21 =	vld [tilespmem:s28+$0x1D770]  }
0xea: {  	v20 =	vld.idx.msk [tilespmem:v3+s3+$0x0], $0xffff  }
0xeb: {  	v13 =	vld.idx.msk [tilespmem:v13+s3+$0x0], $0xffff  }
0xec: {  	v14 =	vld.idx.msk [tilespmem:v14+s3+$0x0], $0xffff  }
0xed: {  	v15 =	vld.idx.msk [tilespmem:v15+s3+$0x0], $0xffff  }
0xee: {  	v16 =	vld.idx.msk [tilespmem:v16+s3+$0x0], $0xffff  }
0xef: {  	s28 =	simm.s32 $0x0;
	v17 =	vld.idx.msk [tilespmem:v17+s3+$0x0], $0xffff  }
0xf0: {  	v18 =	vld.idx.msk [tilespmem:v18+s3+$0x0], $0xffff;
	[tilespmem:s28], [sflag:$0x1] =	stream.strided.gather [hbm4b:s9+s16], $0x18700, s17, s16, $0x38  }
0xf1: {  	_ = 	snop  }
0xf2: {  	[tilespmem:s20], [sflag:$0x2] =	stream.strided.gather [hbm4b:s10+s16], $0x1000, s17, s16, $0x38;
	[tilespmem:$0x1E780] =	vst v63  }
0xf3: {  	_ =	swait.ge [sflag:s21], $0x18700  }
0xf4: {  	[sflag:s21] =	ssyncset.done $0x0  }
0xf5: {  	[sflag:s21] =	ssyncadd.s32 $0xFFFE7900  }
0xf6: {  	[tilespmem:s22], [sflag:$0x3] =	stream.strided.gather [hbm4b:s11+s16], $0x1000, s17, s16, $0x38;
	[tilespmem:$0x1E780] =	vst v63  }
0xf7: {  	_ =	swait.ge [sflag:s23], $0x1000  }
0xf8: {  	[sflag:s23] =	ssyncset.done $0x0  }
0xf9: {  	s28 =	simm.s32 $0x0;
	[sflag:s23] =	ssyncadd.s32 $0xFFFFF000  }
0xfa: {  	v3 =	vld [tilespmem:s28+$0x1C740]  }
0xfb: {  	v2 =	vld [tilespmem:s28+$0x1C750]  }
0xfc: {  	v19 =	vsub.f32 v1, v19;
	v1 =	vld [tilespmem:s28+$0x1C760]  }
0xfd: {  	v20 =	vsub.f32 v0, v20;
	v13 =	vsub.f32 v5, v13;
	v5 =	vld [tilespmem:s28+$0x1C700]  }
0xfe: {  	v0 =	vsub.f32 v6, v14;
	v14 =	vsub.f32 v11, v15;
	v6 =	vld [tilespmem:s28+$0x1C710]  }
0xff: {  	v63 =	vmul.f32 v20, v20;
	v13 =	vmul.f32 v13, v13;
	v15 =	vsub.f32 v12, v16;
	v11 =	vld [tilespmem:s28+$0x1C720]  }
0x100: {  	v14 =	vmul.f32 v14, v14;
	v4 =	vsub.f32 v4, v17;
	v17 =	vmul.f32 v0, v0;
	v12 =	vld [tilespmem:s28+$0x1C730]  }
0x101: {  	v10 =	vadd.f32 v13, v10;
	v18 =	vsub.f32 v21, v18;
	v15 =	vmul.f32 v15, v15;
	v0 =	vld [tilespmem:s28+$0x18740]  }
0x102: {  	v16 =	vmul.f32 v19, v19;
	v9 =	vadd.f32 v17, v9;
	v17 =	vmul.f32 v4, v4;
	v4 =	vld [tilespmem:s28+$0x18750]  }
0x103: {  	v7 =	vadd.f32 v14, v7;
	v8 =	vadd.f32 v15, v8;
	v15 =	vmul.f32 v18, v18;
	v13 =	vld [tilespmem:s28+$0x18700]  }
0x104: {  	v10 =	vadd.f32 v16, v10;
	v9 =	vadd.f32 v63, v9;
	v14 =	vld [tilespmem:s28+$0x18710]  }
0x105: {  	s29 =	simm.s32 $0x200;
	v7 =	vadd.f32 v17, v7;
	v8 =	vadd.f32 v15, v8;
	v15 =	vld [tilespmem:s28+$0x18720]  }
.LBB2_10:
0x106: {  	p0 =	sne.s32 s29, $0x3E00;
	v16 =	vld [tilespmem:s28+$0x18730]  }
0x107: {  	v17 =	vld [tilespmem:s28+$0x18760]  }
0x108: {  	v18 =	vld [tilespmem:s28+$0x18770]  }
0x109: {  	v0 =	vld.idx.msk [tilespmem:v0+s3+$0x0], $0xffff  }
0x10a: {  	v4 =	vld.idx.msk [tilespmem:v4+s3+$0x0], $0xffff  }
0x10b: {  	v13 =	vld.idx.msk [tilespmem:v13+s3+$0x0], $0xffff  }
0x10c: {  	v14 =	vld.idx.msk [tilespmem:v14+s3+$0x0], $0xffff  }
0x10d: {  	v15 =	vld.idx.msk [tilespmem:v15+s3+$0x0], $0xffff  }
0x10e: {  	v16 =	vld.idx.msk [tilespmem:v16+s3+$0x0], $0xffff  }
0x10f: {  	v17 =	vld.idx.msk [tilespmem:v17+s3+$0x0], $0xffff  }
0x110: {  	v18 =	vld.idx.msk [tilespmem:v18+s3+$0x0], $0xffff  }
0x111: {  	v0 =	vsub.f32 v3, v0;
	v19 =	vld [tilespmem:s28+$0x1C770];
	s28 =	sshra.s32 s29, $0x2  }
0x112: {  	v4 =	vsub.f32 v2, v4;
	v13 =	vsub.f32 v5, v13;
	v3 =	vld [tilespmem:s28+$0x1C740]  }
0x113: {  	v6 =	vsub.f32 v6, v14;
	v11 =	vsub.f32 v11, v15;
	v2 =	vld [tilespmem:s28+$0x1C750]  }
0x114: {  	v4 =	vmul.f32 v4, v4;
	v15 =	vmul.f32 v0, v0;
	v12 =	vsub.f32 v12, v16;
	v14 =	vld [tilespmem:s28+$0x1C760]  }
0x115: {  	v0 =	vmul.f32 v13, v13;
	v13 =	vmul.f32 v6, v6;
	v1 =	vsub.f32 v1, v17;
	v5 =	vld [tilespmem:s28+$0x1C700]  }
0x116: {  	v16 =	vmul.f32 v11, v11;
	v17 =	vmul.f32 v12, v12;
	v6 =	vld [tilespmem:s28+$0x1C710];
	v18 =	vsub.f32 v19, v18  }
0x117: {  	v10 =	vadd.f32 v0, v10;
	v9 =	vadd.f32 v13, v9;
	v13 =	vmul.f32 v1, v1;
	v11 =	vld [tilespmem:s28+$0x1C720]  }
0x118: {  	v7 =	vadd.f32 v16, v7;
	v8 =	vadd.f32 v17, v8;
	v12 =	vld [tilespmem:s28+$0x1C730];
	v16 =	vmul.f32 v18, v18  }
.Ltmp4:
0x119: {  	v10 =	vadd.f32 v15, v10;
	v9 =	vadd.f32 v4, v9;
	v0 =	vld [tilespmem:s28+$0x18740];
	v1 =	vmov v14;
	(pc) =	sbr.rel @p0 .LBB2_10-.Ltmp4, $4  }
0x11a: {  	v7 =	vadd.f32 v13, v7;
	v4 =	vld [tilespmem:s28+$0x18750];
	v8 =	vadd.f32 v16, v8  }
0x11b: {  	v13 =	vld [tilespmem:s28+$0x18700]  }
0x11c: {  	v14 =	vld [tilespmem:s28+$0x18710]  }
0x11d: {  	s29 =	sadd.s32 $0x200, s29;
	v15 =	vld [tilespmem:s28+$0x18720]  }
0x11e: {  	_ = 	snop  }
0x11f: {  	v16 =	vld [tilespmem:s28+$0x18730]  }
0x120: {  	v17 =	vld [tilespmem:s28+$0x18760]  }
0x121: {  	v18 =	vld [tilespmem:s28+$0x18770]  }
0x122: {  	v19 =	vld.idx.msk [tilespmem:v0+s3+$0x0], $0xffff  }
0x123: {  	v21 =	vld [tilespmem:s28+$0x1C770]  }
0x124: {  	v20 =	vld.idx.msk [tilespmem:v4+s3+$0x0], $0xffff  }
0x125: {  	v13 =	vld.idx.msk [tilespmem:v13+s3+$0x0], $0xffff  }
0x126: {  	v14 =	vld.idx.msk [tilespmem:v14+s3+$0x0], $0xffff  }
0x127: {  	v15 =	vld.idx.msk [tilespmem:v15+s3+$0x0], $0xffff  }
0x128: {  	v16 =	vld.idx.msk [tilespmem:v16+s3+$0x0], $0xffff  }
0x129: {  	v17 =	vld.idx.msk [tilespmem:v17+s3+$0x0], $0xffff  }
0x12a: {  	v18 =	vld.idx.msk [tilespmem:v18+s3+$0x0], $0xffff;
	[tilespmem:s20], [sflag:$0x2] =	stream.strided.gather [hbm4b:s12+s16], $0x1000, s17, s16, $0x38  }
0x12b: {  	_ =	swait.ge [sflag:s24], $0x1000  }
0x12c: {  	[sflag:s24] =	ssyncset.done $0x0  }
0x12d: {  	s28 =	simm.s32 $0x40;
	[sflag:s24] =	ssyncadd.s32 $0xFFFFF000  }
0x12e: {  	v4 =	vld [tilespmem:s28+$0x1D700]  }
0x12f: {  	v0 =	vld [tilespmem:s28+$0x1D710]  }
0x130: {  	v19 =	vsub.f32 v3, v19;
	v13 =	vsub.f32 v5, v13;
	v3 =	vld [tilespmem:s28+$0x1D720]  }
0x131: {  	v2 =	vsub.f32 v2, v20;
	v5 =	vld [tilespmem:s28+$0x1D6C0]  }
0x132: {  	v14 =	vsub.f32 v6, v14;
	v15 =	vsub.f32 v11, v15;
	v13 =	vmul.f32 v13, v13;
	v6 =	vld [tilespmem:s28+$0x1D6D0]  }
0x133: {  	v20 =	vmul.f32 v2, v2;
	v11 =	vld [tilespmem:s28+$0x1D6E0];
	v16 =	vsub.f32 v12, v16  }
0x134: {  	v14 =	vmul.f32 v14, v14;
	v15 =	vmul.f32 v15, v15;
	v10 =	vadd.f32 v13, v10;
	v2 =	vld [tilespmem:s28+$0x19710]  }
0x135: {  	v17 =	vsub.f32 v1, v17;
	v18 =	vsub.f32 v21, v18;
	v1 =	vld [tilespmem:s28+$0x19700];
	v16 =	vmul.f32 v16, v16  }
0x136: {  	v19 =	vmul.f32 v19, v19;
	v9 =	vadd.f32 v14, v9;
	v13 =	vld [tilespmem:s28+$0x196C0];
	v7 =	vadd.f32 v15, v7  }
0x137: {  	v14 =	vld [tilespmem:s28+$0x196D0];
	v17 =	vmul.f32 v17, v17;
	v15 =	vmul.f32 v18, v18;
	v8 =	vadd.f32 v16, v8  }
0x138: {  	v12 =	vld [tilespmem:s28+$0x1D6F0];
	v10 =	vadd.f32 v19, v10;
	v9 =	vadd.f32 v20, v9  }
0x139: {  	s29 =	simm.s32 $0x300;
	v7 =	vadd.f32 v17, v7;
	v8 =	vadd.f32 v15, v8;
	v15 =	vld [tilespmem:s28+$0x196E0]  }
.LBB2_12:
0x13a: {  	p0 =	sne.s32 s29, $0x3F00;
	v16 =	vld [tilespmem:s28+$0x196F0]  }
0x13b: {  	v17 =	vld [tilespmem:s28+$0x19720]  }
0x13c: {  	v18 =	vld [tilespmem:s28+$0x19730]  }
0x13d: {  	v1 =	vld.idx.msk [tilespmem:v1+s3+$0x0], $0xffff  }
0x13e: {  	v2 =	vld.idx.msk [tilespmem:v2+s3+$0x0], $0xffff  }
0x13f: {  	v13 =	vld.idx.msk [tilespmem:v13+s3+$0x0], $0xffff  }
0x140: {  	v14 =	vld.idx.msk [tilespmem:v14+s3+$0x0], $0xffff  }
0x141: {  	v15 =	vld.idx.msk [tilespmem:v15+s3+$0x0], $0xffff  }
0x142: {  	v16 =	vld.idx.msk [tilespmem:v16+s3+$0x0], $0xffff  }
0x143: {  	v17 =	vld.idx.msk [tilespmem:v17+s3+$0x0], $0xffff  }
0x144: {  	v18 =	vld.idx.msk [tilespmem:v18+s3+$0x0], $0xffff  }
0x145: {  	v1 =	vsub.f32 v4, v1;
	v19 =	vld [tilespmem:s28+$0x1D730];
	s28 =	sshra.s32 s29, $0x2  }
0x146: {  	v2 =	vsub.f32 v0, v2;
	v13 =	vsub.f32 v5, v13;
	v4 =	vld [tilespmem:s28+$0x1D700]  }
0x147: {  	v6 =	vsub.f32 v6, v14;
	v11 =	vsub.f32 v11, v15;
	v0 =	vld [tilespmem:s28+$0x1D710]  }
0x148: {  	v2 =	vmul.f32 v2, v2;
	v15 =	vmul.f32 v1, v1;
	v12 =	vsub.f32 v12, v16;
	v14 =	vld [tilespmem:s28+$0x1D720]  }
0x149: {  	v1 =	vmul.f32 v13, v13;
	v13 =	vmul.f32 v6, v6;
	v3 =	vsub.f32 v3, v17;
	v5 =	vld [tilespmem:s28+$0x1D6C0]  }
0x14a: {  	v16 =	vmul.f32 v11, v11;
	v17 =	vmul.f32 v12, v12;
	v6 =	vld [tilespmem:s28+$0x1D6D0];
	v18 =	vsub.f32 v19, v18  }
0x14b: {  	v10 =	vadd.f32 v1, v10;
	v9 =	vadd.f32 v13, v9;
	v13 =	vmul.f32 v3, v3;
	v11 =	vld [tilespmem:s28+$0x1D6E0]  }
0x14c: {  	v7 =	vadd.f32 v16, v7;
	v8 =	vadd.f32 v17, v8;
	v12 =	vld [tilespmem:s28+$0x1D6F0];
	v16 =	vmul.f32 v18, v18  }
.Ltmp5:
0x14d: {  	v10 =	vadd.f32 v15, v10;
	v9 =	vadd.f32 v2, v9;
	v1 =	vld [tilespmem:s28+$0x19700];
	v3 =	vmov v14;
	(pc) =	sbr.rel @p0 .LBB2_12-.Ltmp5, $4  }
0x14e: {  	v7 =	vadd.f32 v13, v7;
	v2 =	vld [tilespmem:s28+$0x19710];
	v8 =	vadd.f32 v16, v8  }
0x14f: {  	v13 =	vld [tilespmem:s28+$0x196C0]  }
0x150: {  	v14 =	vld [tilespmem:s28+$0x196D0]  }
0x151: {  	s29 =	sadd.s32 $0x200, s29;
	v15 =	vld [tilespmem:s28+$0x196E0]  }
0x152: {  	_ = 	snop  }
0x153: {  	v16 =	vld [tilespmem:s28+$0x196F0]  }
0x154: {  	v17 =	vld [tilespmem:s28+$0x19720]  }
0x155: {  	v18 =	vld [tilespmem:s28+$0x19730]  }
0x156: {  	v19 =	vld.idx.msk [tilespmem:v1+s3+$0x0], $0xffff  }
0x157: {  	v21 =	vld [tilespmem:s28+$0x1D730]  }
0x158: {  	v20 =	vld.idx.msk [tilespmem:v2+s3+$0x0], $0xffff  }
0x159: {  	v13 =	vld.idx.msk [tilespmem:v13+s3+$0x0], $0xffff  }
0x15a: {  	v14 =	vld.idx.msk [tilespmem:v14+s3+$0x0], $0xffff  }
0x15b: {  	v15 =	vld.idx.msk [tilespmem:v15+s3+$0x0], $0xffff  }
0x15c: {  	v16 =	vld.idx.msk [tilespmem:v16+s3+$0x0], $0xffff  }
0x15d: {  	v17 =	vld.idx.msk [tilespmem:v17+s3+$0x0], $0xffff  }
0x15e: {  	v18 =	vld.idx.msk [tilespmem:v18+s3+$0x0], $0xffff;
	[tilespmem:s22], [sflag:$0x3] =	stream.strided.gather [hbm4b:s13+s16], $0x1000, s17, s16, $0x38  }
0x15f: {  	_ =	swait.ge [sflag:s23], $0x1000  }
0x160: {  	[sflag:s23] =	ssyncset.done $0x0  }
0x161: {  	s28 =	simm.s32 $0x0;
	[sflag:s23] =	ssyncadd.s32 $0xFFFFF000  }
0x162: {  	v2 =	vld [tilespmem:s28+$0x1C740]  }
0x163: {  	v1 =	vld [tilespmem:s28+$0x1C750]  }
0x164: {  	v19 =	vsub.f32 v4, v19;
	v13 =	vsub.f32 v5, v13;
	v4 =	vld [tilespmem:s28+$0x1C760]  }
0x165: {  	v20 =	vsub.f32 v0, v20;
	v5 =	vld [tilespmem:s28+$0x1C700]  }
0x166: {  	v0 =	vsub.f32 v6, v14;
	v13 =	vmul.f32 v13, v13;
	v6 =	vld [tilespmem:s28+$0x1C710]  }
0x167: {  	v63 =	vmul.f32 v20, v20;
	v14 =	vsub.f32 v11, v15;
	v11 =	vld [tilespmem:s28+$0x1C720];
	v15 =	vsub.f32 v12, v16  }
0x168: {  	v10 =	vadd.f32 v13, v10;
	v13 =	vld [tilespmem:s28+$0x1A700];
	v3 =	vsub.f32 v3, v17;
	v17 =	vmul.f32 v0, v0  }
0x169: {  	v14 =	vmul.f32 v14, v14;
	v18 =	vsub.f32 v21, v18;
	v0 =	vld [tilespmem:s28+$0x1A740];
	v15 =	vmul.f32 v15, v15  }
0x16a: {  	v16 =	vmul.f32 v19, v19;
	v9 =	vadd.f32 v17, v9;
	v17 =	vmul.f32 v3, v3;
	v3 =	vld [tilespmem:s28+$0x1A750]  }
0x16b: {  	v12 =	vld [tilespmem:s28+$0x1C730];
	v7 =	vadd.f32 v14, v7;
	v8 =	vadd.f32 v15, v8;
	v15 =	vmul.f32 v18, v18  }
0x16c: {  	v14 =	vld [tilespmem:s28+$0x1A710];
	v10 =	vadd.f32 v16, v10;
	v9 =	vadd.f32 v63, v9  }
0x16d: {  	s29 =	simm.s32 $0x200;
	v7 =	vadd.f32 v17, v7;
	v8 =	vadd.f32 v15, v8;
	v15 =	vld [tilespmem:s28+$0x1A720]  }
.LBB2_14:
0x16e: {  	p0 =	sne.s32 s29, $0x3E00;
	v16 =	vld [tilespmem:s28+$0x1A730]  }
0x16f: {  	v17 =	vld [tilespmem:s28+$0x1A760]  }
0x170: {  	v18 =	vld [tilespmem:s28+$0x1A770]  }
0x171: {  	v0 =	vld.idx.msk [tilespmem:v0+s3+$0x0], $0xffff  }
0x172: {  	v3 =	vld.idx.msk [tilespmem:v3+s3+$0x0], $0xffff  }
0x173: {  	v13 =	vld.idx.msk [tilespmem:v13+s3+$0x0], $0xffff  }
0x174: {  	v14 =	vld.idx.msk [tilespmem:v14+s3+$0x0], $0xffff  }
0x175: {  	v15 =	vld.idx.msk [tilespmem:v15+s3+$0x0], $0xffff  }
0x176: {  	v16 =	vld.idx.msk [tilespmem:v16+s3+$0x0], $0xffff  }
0x177: {  	v17 =	vld.idx.msk [tilespmem:v17+s3+$0x0], $0xffff  }
0x178: {  	v18 =	vld.idx.msk [tilespmem:v18+s3+$0x0], $0xffff  }
0x179: {  	v0 =	vsub.f32 v2, v0;
	v19 =	vld [tilespmem:s28+$0x1C770];
	s28 =	sshra.s32 s29, $0x2  }
0x17a: {  	v3 =	vsub.f32 v1, v3;
	v13 =	vsub.f32 v5, v13;
	v2 =	vld [tilespmem:s28+$0x1C740]  }
0x17b: {  	v6 =	vsub.f32 v6, v14;
	v11 =	vsub.f32 v11, v15;
	v1 =	vld [tilespmem:s28+$0x1C750]  }
0x17c: {  	v3 =	vmul.f32 v3, v3;
	v15 =	vmul.f32 v0, v0;
	v12 =	vsub.f32 v12, v16;
	v14 =	vld [tilespmem:s28+$0x1C760]  }
0x17d: {  	v0 =	vmul.f32 v13, v13;
	v13 =	vmul.f32 v6, v6;
	v4 =	vsub.f32 v4, v17;
	v5 =	vld [tilespmem:s28+$0x1C700]  }
0x17e: {  	v16 =	vmul.f32 v11, v11;
	v17 =	vmul.f32 v12, v12;
	v6 =	vld [tilespmem:s28+$0x1C710];
	v18 =	vsub.f32 v19, v18  }
0x17f: {  	v10 =	vadd.f32 v0, v10;
	v9 =	vadd.f32 v13, v9;
	v13 =	vmul.f32 v4, v4;
	v11 =	vld [tilespmem:s28+$0x1C720]  }
0x180: {  	v7 =	vadd.f32 v16, v7;
	v8 =	vadd.f32 v17, v8;
	v12 =	vld [tilespmem:s28+$0x1C730];
	v16 =	vmul.f32 v18, v18  }
.Ltmp6:
0x181: {  	v10 =	vadd.f32 v15, v10;
	v9 =	vadd.f32 v3, v9;
	v0 =	vld [tilespmem:s28+$0x1A740];
	v4 =	vmov v14;
	(pc) =	sbr.rel @p0 .LBB2_14-.Ltmp6, $4  }
0x182: {  	v7 =	vadd.f32 v13, v7;
	v3 =	vld [tilespmem:s28+$0x1A750];
	v8 =	vadd.f32 v16, v8  }
0x183: {  	v13 =	vld [tilespmem:s28+$0x1A700]  }
0x184: {  	v14 =	vld [tilespmem:s28+$0x1A710]  }
0x185: {  	s29 =	sadd.s32 $0x200, s29;
	v15 =	vld [tilespmem:s28+$0x1A720]  }
0x186: {  	_ = 	snop  }
0x187: {  	v16 =	vld [tilespmem:s28+$0x1A730]  }
0x188: {  	v17 =	vld [tilespmem:s28+$0x1A760]  }
0x189: {  	v18 =	vld [tilespmem:s28+$0x1A770]  }
0x18a: {  	v19 =	vld.idx.msk [tilespmem:v0+s3+$0x0], $0xffff  }
0x18b: {  	v21 =	vld [tilespmem:s28+$0x1C770]  }
0x18c: {  	v20 =	vld.idx.msk [tilespmem:v3+s3+$0x0], $0xffff  }
0x18d: {  	v13 =	vld.idx.msk [tilespmem:v13+s3+$0x0], $0xffff  }
0x18e: {  	v14 =	vld.idx.msk [tilespmem:v14+s3+$0x0], $0xffff  }
0x18f: {  	v15 =	vld.idx.msk [tilespmem:v15+s3+$0x0], $0xffff  }
0x190: {  	v16 =	vld.idx.msk [tilespmem:v16+s3+$0x0], $0xffff  }
0x191: {  	v17 =	vld.idx.msk [tilespmem:v17+s3+$0x0], $0xffff  }
0x192: {  	v18 =	vld.idx.msk [tilespmem:v18+s3+$0x0], $0xffff;
	_ =	swait.ge [sflag:s24], $0x1000  }
0x193: {  	[sflag:s24] =	ssyncset.done $0x0  }
0x194: {  	s28 =	simm.s32 $0x0;
	[sflag:s24] =	ssyncadd.s32 $0xFFFFF000  }
0x195: {  	v3 =	vld [tilespmem:s28+$0x1D740]  }
0x196: {  	v0 =	vld [tilespmem:s28+$0x1D750]  }
0x197: {  	v19 =	vsub.f32 v2, v19;
	v13 =	vsub.f32 v5, v13;
	v2 =	vld [tilespmem:s28+$0x1D760]  }
0x198: {  	v20 =	vsub.f32 v1, v20;
	v1 =	vld [tilespmem:s28+$0x1D700]  }
0x199: {  	v6 =	vsub.f32 v6, v14;
	v14 =	vsub.f32 v11, v15;
	v13 =	vmul.f32 v13, v13;
	v5 =	vld [tilespmem:s28+$0x1D710]  }
0x19a: {  	v20 =	vmul.f32 v20, v20;
	v11 =	vld [tilespmem:s28+$0x1D730];
	v12 =	vsub.f32 v12, v16  }
0x19b: {  	v6 =	vmul.f32 v6, v6;
	v14 =	vmul.f32 v14, v14;
	v62 =	vadd.f32 v13, v10;
	v10 =	vld [tilespmem:s28+$0x1B740]  }
0x19c: {  	v13 =	vld [tilespmem:s28+$0x1B700];
	v15 =	vsub.f32 v4, v17;
	v17 =	vsub.f32 v21, v18;
	v61 =	vmul.f32 v12, v12  }
0x19d: {  	v9 =	vadd.f32 v6, v9;
	v16 =	vmul.f32 v19, v19;
	v63 =	vadd.f32 v14, v7;
	v12 =	vld [tilespmem:s28+$0x1B750]  }
0x19e: {  	v4 =	vld [tilespmem:s28+$0x1D720];
	v15 =	vmul.f32 v15, v15;
	v17 =	vmul.f32 v17, v17;
	v18 =	vadd.f32 v61, v8  }
0x19f: {  	v14 =	vld [tilespmem:s28+$0x1B710];
	v7 =	vadd.f32 v20, v9;
	v6 =	vadd.f32 v16, v62  }
0x1a0: {  	s29 =	simm.s32 $0x200;
	v8 =	vadd.f32 v15, v63;
	v15 =	vld [tilespmem:s28+$0x1B720];
	v9 =	vadd.f32 v17, v18  }
.LBB2_16:
0x1a1: {  	p0 =	sne.s32 s29, $0x3E00;
	v16 =	vld [tilespmem:s28+$0x1B730]  }
0x1a2: {  	v17 =	vld [tilespmem:s28+$0x1B760]  }
0x1a3: {  	v18 =	vld [tilespmem:s28+$0x1B770]  }
0x1a4: {  	v10 =	vld.idx.msk [tilespmem:v10+s3+$0x0], $0xffff  }
0x1a5: {  	v12 =	vld.idx.msk [tilespmem:v12+s3+$0x0], $0xffff  }
0x1a6: {  	v13 =	vld.idx.msk [tilespmem:v13+s3+$0x0], $0xffff  }
0x1a7: {  	v14 =	vld.idx.msk [tilespmem:v14+s3+$0x0], $0xffff  }
0x1a8: {  	v15 =	vld.idx.msk [tilespmem:v15+s3+$0x0], $0xffff  }
0x1a9: {  	v16 =	vld.idx.msk [tilespmem:v16+s3+$0x0], $0xffff  }
0x1aa: {  	v17 =	vld.idx.msk [tilespmem:v17+s3+$0x0], $0xffff  }
0x1ab: {  	v18 =	vld.idx.msk [tilespmem:v18+s3+$0x0], $0xffff  }
0x1ac: {  	v10 =	vsub.f32 v3, v10;
	v19 =	vld [tilespmem:s28+$0x1D770];
	s28 =	sshra.s32 s29, $0x2  }
0x1ad: {  	v13 =	vsub.f32 v1, v13;
	v1 =	vsub.f32 v0, v12;
	v3 =	vld [tilespmem:s28+$0x1D740]  }
0x1ae: {  	v5 =	vsub.f32 v5, v14;
	v4 =	vsub.f32 v4, v15;
	v0 =	vld [tilespmem:s28+$0x1D750]  }
0x1af: {  	v14 =	vmul.f32 v10, v10;
	v15 =	vmul.f32 v1, v1;
	v11 =	vsub.f32 v11, v16;
	v12 =	vld [tilespmem:s28+$0x1D760]  }
0x1b0: {  	v10 =	vmul.f32 v13, v13;
	v13 =	vmul.f32 v5, v5;
	v2 =	vsub.f32 v2, v17;
	v1 =	vld [tilespmem:s28+$0x1D700]  }
0x1b1: {  	v16 =	vmul.f32 v4, v4;
	v17 =	vmul.f32 v11, v11;
	v5 =	vld [tilespmem:s28+$0x1D710];
	v18 =	vsub.f32 v19, v18  }
0x1b2: {  	v6 =	vadd.f32 v10, v6;
	v7 =	vadd.f32 v13, v7;
	v13 =	vmul.f32 v2, v2;
	v4 =	vld [tilespmem:s28+$0x1D720]  }
0x1b3: {  	v8 =	vadd.f32 v16, v8;
	v9 =	vadd.f32 v17, v9;
	v11 =	vld [tilespmem:s28+$0x1D730];
	v16 =	vmul.f32 v18, v18  }
.Ltmp7:
0x1b4: {  	v6 =	vadd.f32 v14, v6;
	v7 =	vadd.f32 v15, v7;
	v10 =	vld [tilespmem:s28+$0x1B740];
	v2 =	vmov v12;
	(pc) =	sbr.rel @p0 .LBB2_16-.Ltmp7, $4  }
0x1b5: {  	v8 =	vadd.f32 v13, v8;
	v12 =	vld [tilespmem:s28+$0x1B750];
	v9 =	vadd.f32 v16, v9  }
0x1b6: {  	v13 =	vld [tilespmem:s28+$0x1B700]  }
0x1b7: {  	v14 =	vld [tilespmem:s28+$0x1B710]  }
0x1b8: {  	s29 =	sadd.s32 $0x200, s29;
	v15 =	vld [tilespmem:s28+$0x1B720]  }
0x1b9: {  	_ = 	snop  }
0x1ba: {  	v16 =	vld [tilespmem:s28+$0x1B730]  }
0x1bb: {  	v17 =	vld [tilespmem:s28+$0x1B760]  }
0x1bc: {  	v18 =	vld [tilespmem:s28+$0x1B770]  }
0x1bd: {  	v10 =	vld.idx.msk [tilespmem:v10+s3+$0x0], $0xffff  }
0x1be: {  	v59 =	vld [tilespmem:s28+$0x1D770]  }
0x1bf: {  	v12 =	vld.idx.msk [tilespmem:v12+s3+$0x0], $0xffff  }
0x1c0: {  	v13 =	vld.idx.msk [tilespmem:v13+s3+$0x0], $0xffff  }
0x1c1: {  	v14 =	vld.idx.msk [tilespmem:v14+s3+$0x0], $0xffff  }
0x1c2: {  	v15 =	vld.idx.msk [tilespmem:v15+s3+$0x0], $0xffff  }
0x1c3: {  	v16 =	vld.idx.msk [tilespmem:v16+s3+$0x0], $0xffff  }
0x1c4: {  	v17 =	vld.idx.msk [tilespmem:v17+s3+$0x0], $0xffff  }
0x1c5: {  	v1 =	vsub.f32 v1, v13;
	v18 =	vld.idx.msk [tilespmem:v18+s3+$0x0], $0xffff  }
0x1c6: {  	v3 =	vsub.f32 v3, v10  }
0x1c7: {  	v5 =	vsub.f32 v5, v14;
	v4 =	vsub.f32 v4, v15;
	v1 =	vmul.f32 v1, v1  }
0x1c8: {  	v0 =	vsub.f32 v0, v12;
	v3 =	vmul.f32 v3, v3;
	v11 =	vsub.f32 v11, v16  }
0x1c9: {  	v5 =	vmul.f32 v5, v5;
	v4 =	vmul.f32 v4, v4;
	v1 =	vadd.f32 v1, v6  }
0x1ca: {  	v2 =	vsub.f32 v2, v17;
	v10 =	vsub.f32 v59, v18;
	v11 =	vmul.f32 v11, v11  }
0x1cb: {  	v0 =	vmul.f32 v0, v0;
	v5 =	vadd.f32 v5, v7;
	v4 =	vadd.f32 v4, v8  }
0x1cc: {  	v2 =	vmul.f32 v2, v2;
	v61 =	vmul.f32 v10, v10;
	v60 =	vadd.f32 v11, v9  }
0x1cd: {  	v1 =	vadd.f32 v3, v1;
	v0 =	vadd.f32 v0, v5  }
0x1ce: {  	v2 =	vadd.f32 v2, v4;
	v62 =	vadd.f32 v61, v60;
	_ =	sdelay $0x1  }
0x1cf: {  	v0 =	vadd.f32 v0, v1;
	v63 =	vadd.f32 v62, v2;
	_ =	sdelay $0x1  }
0x1d0: {  	v0 =	vadd.f32 v63, v0;
	_ =	sdelay $0x1  }
0x1d1: {  	s26 =	sadd.s32 $0x1, s26;
	v0 =	vmul.f32 $3.051757810e-05, v0  }
0x1d2: {  	p0 =	sne.s32 s26, s15  }
.Ltmp8:
0x1d3: {  	[tilespmem:$0x1E700] =	vst v0;
	(pc) =	sbr.rel @p0 .LBB2_1-.Ltmp8, $4  }
0x1d4: {  	[hbm4b:s14+s3] =	stream.linear.scatter [tilespmem:s25], [sflag:$0x4], $0x80, $0x38;
	[tilespmem:$0x1E780] =	vst v63  }
0x1d5: {  	_ =	swait.ge [sflag:s19], $0x80  }
0x1d6: {  	[sflag:s19] =	ssyncset.done $0x0  }
0x1d7: {  	[sflag:s19] =	ssyncadd.s32 $0xFFFFFF80  }
0x1d8: {  	_ =	sfence.sel $0x180000  }
0x1d9: {  	[bflag:$0x0] =	sbarrier.arrive $0xFFFF  }
0x1da: {  	p0 =	sne.s32 s1, $0x0;
	_ =	strace $0x90000047  }
0x1db: {  	s0 =	sadd.s32 @!p0 $0x100000, s0;
	[bflag:$0x2] =	sbarrier.arrive $0xFFFF  }
0x1dc: {  	[sflag:s0] =	ssyncadd.tile.s32 @!p0 $0x1;
	_ =	shalt  }
.Lfunc_end2:
_tile_overlayer_lowered:
.L_overlay_start_2:
0x1dd: {  	(tag) =	ssettag $0x2  }
0x1de: {  	s0 =	rddreg [dreg:$0x0];
	s2 =	stileid.u32  }
0x1df: {  	s1 =	rddreg [dreg:$0x1];
	p0 =	sne.s32 s2, $0x0  }
0x1e0: {  	s3 =	rddreg [dreg:$0x2];
	[bflag:$0x3] =	sbarrier.arrive $0xFFFF;
	s2 =	simm.s32 @!p0 $0x1C04  }
0x1e1: {  	[timem:s3], [sflag:s2] =	dma.local @!p0 [hbm:s0], s1  }
0x1e2: {  	s0 =	simm.s32 @!p0 $0x4  }
0x1e3: {  	_ =	swait.ge @!p0 [sflag:s0], s1  }
0x1e4: {  	s1 =	ssub.s32 @!p0 $0x0, s1;
	[sflag:s0] =	ssyncset.done @!p0 $0x0  }
0x1e5: {  	[sflag:s0] =	ssyncadd.s32 @!p0 s1  }
0x1e6: {  	[bflag:$0x3] =	sbarrier.arrive $0xFFFF  }
0x1e7: {  	_ =	shalt  }

</sc_bundles>
